<compile_context>
chip_gen: v7x
topology: tpu7x:2x2x1
jax: 0.10.2.dev20260603
libtpu: 0.0.44.dev20260713+nightly
codegen_flags: <defaults>
</compile_context>

<pallas_src>
import jax
import jax.numpy as jnp
from jax import lax
from jax.experimental import pallas as pl
from jax.experimental.pallas import tpu as pltpu
from jax.experimental.pallas import tpu_sc as plsc

NC = 2
NS = 16
NW = NC * NS
L = 16

F = 26
D = 32
G = 4
GW = G * D
CHUNK = 32
M = CHUNK * F
SW = 64
NSTREAM = M // SW


def _body(inputs_hbm, table_hbm, offt_hbm, out_hbm,
          in_v, off_v, idx_v, qoff_v, buf_v, out_v, sem):
    wid = lax.axis_index("s") * NC + lax.axis_index("c")
    n_chunks = out_hbm.shape[0] // (NW * CHUNK)

    pltpu.sync_copy(offt_hbm, off_v)

    def chunk_body(c, carry):
        base = (wid * n_chunks + c) * M
        pltpu.sync_copy(inputs_hbm.at[pl.ds(base, M)], in_v)

        def idx_body(i, carry2):
            s = i * L
            idx = in_v[pl.ds(s, L)] + off_v[pl.ds(s, L)]
            idx_v[pl.ds(s, L)] = idx >> 2
            qoff_v[pl.ds(s, L)] = (idx & 3) * D
            return carry2
        lax.fori_loop(0, M // L, idx_body, 0, unroll=False)

        descs = [
            pltpu.async_copy(table_hbm.at[idx_v.at[pl.ds(j * SW, SW)]],
                             buf_v.at[pl.ds(j * SW, SW)], sem)
            for j in range(NSTREAM)
        ]
        for d in descs:
            d.wait()

        def sum_body(r, carry2):
            g = r * F
            qv0 = qoff_v[pl.ds(g, L)]
            qv1 = qoff_v[pl.ds(g + F - L, L)]
            q0 = qv0[0]
            acc0 = buf_v[g, pl.ds(q0, L)]
            acc1 = buf_v[g, pl.ds(q0 + L, L)]
            for f in range(1, F):
                q = qv0[f] if f < L else qv1[f - (F - L)]
                acc0 = acc0 + buf_v[g + f, pl.ds(q, L)]
                acc1 = acc1 + buf_v[g + f, pl.ds(q + L, L)]
            out_v[r, pl.ds(0, L)] = acc0
            out_v[r, pl.ds(L, L)] = acc1
            return carry2
        lax.fori_loop(0, CHUNK, sum_body, 0, unroll=False)

        pltpu.sync_copy(out_v, out_hbm.at[pl.ds((wid * n_chunks + c) * CHUNK,
                                                CHUNK)])
        return carry

    lax.fori_loop(0, n_chunks, chunk_body, 0, unroll=False)


def kernel(inputs, table, offset):
    B = inputs.shape[0]
    inputs_flat = inputs.reshape(B * F)
    off_tiled = jnp.tile(offset, CHUNK)
    V = table.shape[0]
    table_g = (table.T.reshape(D, V // G, G)
               .transpose(1, 2, 0)
               .reshape(V // G, GW))

    k = pl.kernel(
        _body,
        out_type=jax.ShapeDtypeStruct((B, D), jnp.float32),
        mesh=plsc.VectorSubcoreMesh(core_axis_name="c", subcore_axis_name="s"),
        scratch_types=[
            pltpu.VMEM((M,), jnp.int32),
            pltpu.VMEM((M,), jnp.int32),
            pltpu.VMEM((M,), jnp.int32),
            pltpu.VMEM((M,), jnp.int32),
            pltpu.VMEM((M, GW), jnp.float32),
            pltpu.VMEM((CHUNK, D), jnp.float32),
            pltpu.SemaphoreType.DMA,
        ],
        compiler_params=pltpu.CompilerParams(use_tc_tiling_on_sc=True,
                                             needs_layout_passes=False),
    )
    return k(inputs_flat, table_g, off_tiled)

# --- scband reference (transcript-rebuilt; emitter-appended) ---
"""Pipeline reference for scband-multi-embedding-bag-71176198029360 (READ-ONLY COPY).

The authoritative reference and input builder live on the scoring server;
editing this copy changes nothing except your own understanding.
"""

import jax, jax.numpy as jnp
import numpy as np

NVEC = np.full(26, 100000, dtype=np.int64)
EMBED_DIM = 32
BATCH = 16384


def setup_inputs(seed: int = 0) -> dict:
    key = jax.random.key(seed)
    k1, k2 = jax.random.split(key)
    inputs = jax.random.randint(k1, (BATCH, NVEC.shape[0]), 0, 100000, dtype=jnp.int32)
    table = jax.random.normal(k2, (int(NVEC.sum()), EMBED_DIM), dtype=jnp.float32)
    offset = jnp.asarray(np.concatenate([[0], np.cumsum(NVEC[:-1])]).astype(np.int32))
    return {"inputs": inputs, "table": table, "offset": offset}


def reference(inputs, table, offset):
    # offset + inputs maps each field's local index into the concatenated table,
    # then embedding lookup and sum over the field dimension (-2), matching
    # MultiEmbeddingBag.forward: self.embedding(self.offset + inputs).sum(-2)
    idx = offset + inputs  # [B, F]
    emb = jnp.take(table, idx, axis=0)  # [B, F, D]
    return emb.sum(-2)  # [B, D]

if __name__ == "__main__":
    import jax
    _d = setup_inputs()
    print(jax.jit(kernel)(*tuple(_d.values())))

</pallas_src>

<mosaic_0001>
#map = affine_map<(d0, d1) -> (0)>
#map1 = affine_map<(d0, d1) -> (0, 0)>
module attributes {stable_mosaic.version = 14 : i64} {
  func.func @_body(%arg0: i32, %arg1: i32, %arg2: memref<425984xi32, #tpu.memory_space<hbm>>, %arg3: memref<650000x128xf32, #tpu.memory_space<hbm>>, %arg4: memref<832xi32, #tpu.memory_space<hbm>>, %arg5: memref<16384x32xf32, #tpu.memory_space<hbm>>, %arg6: memref<832xi32, #tpu.memory_space<vmem>>, %arg7: memref<832xi32, #tpu.memory_space<vmem>>, %arg8: memref<832xi32, #tpu.memory_space<vmem>>, %arg9: memref<832xi32, #tpu.memory_space<vmem>>, %arg10: memref<832x128xf32, #tpu.memory_space<vmem>>, %arg11: memref<32x32xf32, #tpu.memory_space<vmem>>, %arg12: memref<!tpu.dma_semaphore, #tpu.memory_space<semaphore_mem>>) attributes {dimension_semantics = [#tpu.dimension_semantics<core_parallel>, #tpu.dimension_semantics<subcore_parallel>], iteration_bounds = array<i64: 2, 16>, scalar_prefetch = 0 : i64, scratch_operands = 7 : i64, tpu.core_type = #tpu.core_type<sc_vector_subcore>, window_params = [{transform_indices = #map}, {transform_indices = #map1}, {transform_indices = #map}, {transform_indices = #map1}]} {
    %mul3A = arith.constant 2 : i32
    %mul3A_0 = arith.muli %arg1, %mul3A : i32
    %add3A = arith.addi %mul3A_0, %arg0 : i32
    "tpu.region"() ({
      %run_scoped3A = tpu.sem_alloc : memref<!tpu.dma_semaphore, #tpu.memory_space<semaphore_mem>>
      tpu.enqueue_dma source(%arg4 : memref<832xi32, #tpu.memory_space<hbm>>) target(%arg7 : memref<832xi32, #tpu.memory_space<vmem>>) target_semaphore(%run_scoped3A : memref<!tpu.dma_semaphore, #tpu.memory_space<semaphore_mem>>)
      tpu.wait_dma2 semaphore(%run_scoped3A : memref<!tpu.dma_semaphore, #tpu.memory_space<semaphore_mem>>) src(%arg4 : memref<832xi32, #tpu.memory_space<hbm>>) dst(%arg7 : memref<832xi32, #tpu.memory_space<vmem>>)
      tpu.yield
    }) : () -> ()
    %scan3A = arith.constant 0 : i32
    %scan3A_1 = arith.constant 0 : i32
    %scan3A_2 = arith.constant 16 : i32
    %scan3A_3 = arith.addi %scan3A_1, %scan3A_2 : i32
    %scan3A_4 = arith.constant 1 : i32
    scf.for %scan3A_6 = %scan3A_1 to %scan3A_3 step %scan3A_4  : i32 {
      %mul3A_7 = arith.constant 16 : i32
      %mul3A_8 = arith.muli %add3A, %mul3A_7 : i32
      %add3A_9 = arith.addi %mul3A_8, %scan3A_6 : i32
      %mul3A_10 = arith.constant 832 : i32
      %mul3A_11 = arith.muli %add3A_9, %mul3A_10 : i32
      "tpu.region"() ({
        %run_scoped3A = tpu.sem_alloc : memref<!tpu.dma_semaphore, #tpu.memory_space<semaphore_mem>>
        %dma_start3A_235 = tpu.memref_slice %arg2[%mul3A_11] : memref<425984xi32, #tpu.memory_space<hbm>> -> memref<832xi32, #tpu.memory_space<hbm>>
        %dma_start3A_236 = tpu.memref_slice %arg2[%mul3A_11] : memref<425984xi32, #tpu.memory_space<hbm>> -> memref<832xi32, #tpu.memory_space<hbm>>
        tpu.enqueue_dma source(%dma_start3A_236 : memref<832xi32, #tpu.memory_space<hbm>>) target(%arg6 : memref<832xi32, #tpu.memory_space<vmem>>) target_semaphore(%run_scoped3A : memref<!tpu.dma_semaphore, #tpu.memory_space<semaphore_mem>>)
        %dma_wait3A_237 = tpu.memref_slice %arg2[%mul3A_11] : memref<425984xi32, #tpu.memory_space<hbm>> -> memref<832xi32, #tpu.memory_space<hbm>>
        %dma_wait3A_238 = tpu.memref_slice %arg2[%mul3A_11] : memref<425984xi32, #tpu.memory_space<hbm>> -> memref<832xi32, #tpu.memory_space<hbm>>
        tpu.wait_dma2 semaphore(%run_scoped3A : memref<!tpu.dma_semaphore, #tpu.memory_space<semaphore_mem>>) src(%dma_wait3A_238 : memref<832xi32, #tpu.memory_space<hbm>>) dst(%arg6 : memref<832xi32, #tpu.memory_space<vmem>>)
        tpu.yield
      }) : () -> ()
      %scan3A_12 = arith.constant 0 : i32
      %scan3A_13 = arith.constant 0 : i32
      %scan3A_14 = arith.constant 52 : i32
      %scan3A_15 = arith.addi %scan3A_13, %scan3A_14 : i32
      %scan3A_16 = arith.constant 1 : i32
      scf.for %scan3A_235 = %scan3A_13 to %scan3A_15 step %scan3A_16  : i32 {
        %mul3A_236 = arith.constant 16 : i32
        %mul3A_237 = arith.muli %scan3A_235, %mul3A_236 : i32
        %get3A = arith.index_cast %mul3A_237 : i32 to index
        %get3A_238 = tpu.vector_load %arg6[%get3A] {strides = array<i32>} : memref<832xi32, #tpu.memory_space<vmem>>, vector<16xi32>,
        %get3A_239 = arith.index_cast %mul3A_237 : i32 to index
        %get3A_240 = tpu.vector_load %arg7[%get3A_239] {strides = array<i32>} : memref<832xi32, #tpu.memory_space<vmem>>, vector<16xi32>,
        %add3A_241 = arith.addi %get3A_238, %get3A_240 : vector<16xi32>
        %shift_right_arithmetic3A = arith.constant 2 : i32
        %shift_right_arithmetic3A_242 = vector.broadcast %shift_right_arithmetic3A : i32 to vector<16xi32>
        %shift_right_arithmetic3A_243 = arith.shrsi %add3A_241, %shift_right_arithmetic3A_242 : vector<16xi32>
        %swap3A = arith.index_cast %mul3A_237 : i32 to index
        %swap3A_244 = tpu.vector_load %arg8[%swap3A] {strides = array<i32>} : memref<832xi32, #tpu.memory_space<vmem>>, vector<16xi32>,
        tpu.vector_store %arg8[%swap3A], %shift_right_arithmetic3A_243 {strides = array<i32>} : memref<832xi32, #tpu.memory_space<vmem>>, vector<16xi32>,
        %and3A = arith.constant 3 : i32
        %and3A_245 = vector.broadcast %and3A : i32 to vector<16xi32>
        %and3A_246 = arith.andi %add3A_241, %and3A_245 : vector<16xi32>
        %mul3A_247 = arith.constant 32 : i32
        %mul3A_248 = vector.broadcast %mul3A_247 : i32 to vector<16xi32>
        %mul3A_249 = arith.muli %and3A_246, %mul3A_248 : vector<16xi32>
        %swap3A_250 = arith.index_cast %mul3A_237 : i32 to index
        %swap3A_251 = tpu.vector_load %arg9[%swap3A_250] {strides = array<i32>} : memref<832xi32, #tpu.memory_space<vmem>>, vector<16xi32>,
        tpu.vector_store %arg9[%swap3A_250], %mul3A_249 {strides = array<i32>} : memref<832xi32, #tpu.memory_space<vmem>>, vector<16xi32>,
      }
      %scan3A_17 = arith.constant 52 : i32
      %dma_start3A = arith.constant 0 : i32
      %dma_start3A_18 = arith.constant 0 : i32
      %dma_start3A_19 = tpu.memref_slice %arg10[%dma_start3A, %dma_start3A_18] : memref<832x128xf32, #tpu.memory_space<vmem>> -> memref<64x128xf32, #tpu.memory_space<vmem>>
      %dma_start3A_20 = arith.constant 0 : i32
      %dma_start3A_21 = tpu.memref_slice %arg8[%dma_start3A_20] : memref<832xi32, #tpu.memory_space<vmem>> -> memref<64xi32, #tpu.memory_space<vmem>>
      %dma_start3A_22 = arith.constant 0 : i32
      %dma_start3A_23 = arith.constant 0 : i32
      %dma_start3A_24 = tpu.memref_slice %arg3[%dma_start3A_22, %dma_start3A_23] : memref<650000x128xf32, #tpu.memory_space<hbm>> -> memref<650000x128xf32, #tpu.memory_space<hbm>>
      tpu.enqueue_indirect_dma source(%dma_start3A_24 : memref<650000x128xf32, #tpu.memory_space<hbm>>) target(%dma_start3A_19 : memref<64x128xf32, #tpu.memory_space<vmem>>) offsets(%dma_start3A_21 : memref<64xi32, #tpu.memory_space<vmem>>) semaphore(%arg12 : memref<!tpu.dma_semaphore, #tpu.memory_space<semaphore_mem>>)
      %dma_start3A_25 = arith.constant 64 : i32
      %dma_start3A_26 = arith.constant 0 : i32
      %dma_start3A_27 = tpu.memref_slice %arg10[%dma_start3A_25, %dma_start3A_26] : memref<832x128xf32, #tpu.memory_space<vmem>> -> memref<64x128xf32, #tpu.memory_space<vmem>>
      %dma_start3A_28 = arith.constant 64 : i32
      %dma_start3A_29 = tpu.memref_slice %arg8[%dma_start3A_28] : memref<832xi32, #tpu.memory_space<vmem>> -> memref<64xi32, #tpu.memory_space<vmem>>
      %dma_start3A_30 = arith.constant 0 : i32
      %dma_start3A_31 = arith.constant 0 : i32
      %dma_start3A_32 = tpu.memref_slice %arg3[%dma_start3A_30, %dma_start3A_31] : memref<650000x128xf32, #tpu.memory_space<hbm>> -> memref<650000x128xf32, #tpu.memory_space<hbm>>
      tpu.enqueue_indirect_dma source(%dma_start3A_32 : memref<650000x128xf32, #tpu.memory_space<hbm>>) target(%dma_start3A_27 : memref<64x128xf32, #tpu.memory_space<vmem>>) offsets(%dma_start3A_29 : memref<64xi32, #tpu.memory_space<vmem>>) semaphore(%arg12 : memref<!tpu.dma_semaphore, #tpu.memory_space<semaphore_mem>>)
      %dma_start3A_33 = arith.constant 128 : i32
      %dma_start3A_34 = arith.constant 0 : i32
      %dma_start3A_35 = tpu.memref_slice %arg10[%dma_start3A_33, %dma_start3A_34] : memref<832x128xf32, #tpu.memory_space<vmem>> -> memref<64x128xf32, #tpu.memory_space<vmem>>
      %dma_start3A_36 = arith.constant 128 : i32
      %dma_start3A_37 = tpu.memref_slice %arg8[%dma_start3A_36] : memref<832xi32, #tpu.memory_space<vmem>> -> memref<64xi32, #tpu.memory_space<vmem>>
      %dma_start3A_38 = arith.constant 0 : i32
      %dma_start3A_39 = arith.constant 0 : i32
      %dma_start3A_40 = tpu.memref_slice %arg3[%dma_start3A_38, %dma_start3A_39] : memref<650000x128xf32, #tpu.memory_space<hbm>> -> memref<650000x128xf32, #tpu.memory_space<hbm>>
      tpu.enqueue_indirect_dma source(%dma_start3A_40 : memref<650000x128xf32, #tpu.memory_space<hbm>>) target(%dma_start3A_35 : memref<64x128xf32, #tpu.memory_space<vmem>>) offsets(%dma_start3A_37 : memref<64xi32, #tpu.memory_space<vmem>>) semaphore(%arg12 : memref<!tpu.dma_semaphore, #tpu.memory_space<semaphore_mem>>)
      %dma_start3A_41 = arith.constant 192 : i32
      %dma_start3A_42 = arith.constant 0 : i32
      %dma_start3A_43 = tpu.memref_slice %arg10[%dma_start3A_41, %dma_start3A_42] : memref<832x128xf32, #tpu.memory_space<vmem>> -> memref<64x128xf32, #tpu.memory_space<vmem>>
      %dma_start3A_44 = arith.constant 192 : i32
      %dma_start3A_45 = tpu.memref_slice %arg8[%dma_start3A_44] : memref<832xi32, #tpu.memory_space<vmem>> -> memref<64xi32, #tpu.memory_space<vmem>>
      %dma_start3A_46 = arith.constant 0 : i32
      %dma_start3A_47 = arith.constant 0 : i32
      %dma_start3A_48 = tpu.memref_slice %arg3[%dma_start3A_46, %dma_start3A_47] : memref<650000x128xf32, #tpu.memory_space<hbm>> -> memref<650000x128xf32, #tpu.memory_space<hbm>>
      tpu.enqueue_indirect_dma source(%dma_start3A_48 : memref<650000x128xf32, #tpu.memory_space<hbm>>) target(%dma_start3A_43 : memref<64x128xf32, #tpu.memory_space<vmem>>) offsets(%dma_start3A_45 : memref<64xi32, #tpu.memory_space<vmem>>) semaphore(%arg12 : memref<!tpu.dma_semaphore, #tpu.memory_space<semaphore_mem>>)
      %dma_start3A_49 = arith.constant 256 : i32
      %dma_start3A_50 = arith.constant 0 : i32
      %dma_start3A_51 = tpu.memref_slice %arg10[%dma_start3A_49, %dma_start3A_50] : memref<832x128xf32, #tpu.memory_space<vmem>> -> memref<64x128xf32, #tpu.memory_space<vmem>>
      %dma_start3A_52 = arith.constant 256 : i32
      %dma_start3A_53 = tpu.memref_slice %arg8[%dma_start3A_52] : memref<832xi32, #tpu.memory_space<vmem>> -> memref<64xi32, #tpu.memory_space<vmem>>
      %dma_start3A_54 = arith.constant 0 : i32
      %dma_start3A_55 = arith.constant 0 : i32
      %dma_start3A_56 = tpu.memref_slice %arg3[%dma_start3A_54, %dma_start3A_55] : memref<650000x128xf32, #tpu.memory_space<hbm>> -> memref<650000x128xf32, #tpu.memory_space<hbm>>
      tpu.enqueue_indirect_dma source(%dma_start3A_56 : memref<650000x128xf32, #tpu.memory_space<hbm>>) target(%dma_start3A_51 : memref<64x128xf32, #tpu.memory_space<vmem>>) offsets(%dma_start3A_53 : memref<64xi32, #tpu.memory_space<vmem>>) semaphore(%arg12 : memref<!tpu.dma_semaphore, #tpu.memory_space<semaphore_mem>>)
      %dma_start3A_57 = arith.constant 320 : i32
      %dma_start3A_58 = arith.constant 0 : i32
      %dma_start3A_59 = tpu.memref_slice %arg10[%dma_start3A_57, %dma_start3A_58] : memref<832x128xf32, #tpu.memory_space<vmem>> -> memref<64x128xf32, #tpu.memory_space<vmem>>
      %dma_start3A_60 = arith.constant 320 : i32
      %dma_start3A_61 = tpu.memref_slice %arg8[%dma_start3A_60] : memref<832xi32, #tpu.memory_space<vmem>> -> memref<64xi32, #tpu.memory_space<vmem>>
      %dma_start3A_62 = arith.constant 0 : i32
      %dma_start3A_63 = arith.constant 0 : i32
      %dma_start3A_64 = tpu.memref_slice %arg3[%dma_start3A_62, %dma_start3A_63] : memref<650000x128xf32, #tpu.memory_space<hbm>> -> memref<650000x128xf32, #tpu.memory_space<hbm>>
      tpu.enqueue_indirect_dma source(%dma_start3A_64 : memref<650000x128xf32, #tpu.memory_space<hbm>>) target(%dma_start3A_59 : memref<64x128xf32, #tpu.memory_space<vmem>>) offsets(%dma_start3A_61 : memref<64xi32, #tpu.memory_space<vmem>>) semaphore(%arg12 : memref<!tpu.dma_semaphore, #tpu.memory_space<semaphore_mem>>)
      %dma_start3A_65 = arith.constant 384 : i32
      %dma_start3A_66 = arith.constant 0 : i32
      %dma_start3A_67 = tpu.memref_slice %arg10[%dma_start3A_65, %dma_start3A_66] : memref<832x128xf32, #tpu.memory_space<vmem>> -> memref<64x128xf32, #tpu.memory_space<vmem>>
      %dma_start3A_68 = arith.constant 384 : i32
      %dma_start3A_69 = tpu.memref_slice %arg8[%dma_start3A_68] : memref<832xi32, #tpu.memory_space<vmem>> -> memref<64xi32, #tpu.memory_space<vmem>>
      %dma_start3A_70 = arith.constant 0 : i32
      %dma_start3A_71 = arith.constant 0 : i32
      %dma_start3A_72 = tpu.memref_slice %arg3[%dma_start3A_70, %dma_start3A_71] : memref<650000x128xf32, #tpu.memory_space<hbm>> -> memref<650000x128xf32, #tpu.memory_space<hbm>>
      tpu.enqueue_indirect_dma source(%dma_start3A_72 : memref<650000x128xf32, #tpu.memory_space<hbm>>) target(%dma_start3A_67 : memref<64x128xf32, #tpu.memory_space<vmem>>) offsets(%dma_start3A_69 : memref<64xi32, #tpu.memory_space<vmem>>) semaphore(%arg12 : memref<!tpu.dma_semaphore, #tpu.memory_space<semaphore_mem>>)
      %dma_start3A_73 = arith.constant 448 : i32
      %dma_start3A_74 = arith.constant 0 : i32
      %dma_start3A_75 = tpu.memref_slice %arg10[%dma_start3A_73, %dma_start3A_74] : memref<832x128xf32, #tpu.memory_space<vmem>> -> memref<64x128xf32, #tpu.memory_space<vmem>>
      %dma_start3A_76 = arith.constant 448 : i32
      %dma_start3A_77 = tpu.memref_slice %arg8[%dma_start3A_76] : memref<832xi32, #tpu.memory_space<vmem>> -> memref<64xi32, #tpu.memory_space<vmem>>
      %dma_start3A_78 = arith.constant 0 : i32
      %dma_start3A_79 = arith.constant 0 : i32
      %dma_start3A_80 = tpu.memref_slice %arg3[%dma_start3A_78, %dma_start3A_79] : memref<650000x128xf32, #tpu.memory_space<hbm>> -> memref<650000x128xf32, #tpu.memory_space<hbm>>
      tpu.enqueue_indirect_dma source(%dma_start3A_80 : memref<650000x128xf32, #tpu.memory_space<hbm>>) target(%dma_start3A_75 : memref<64x128xf32, #tpu.memory_space<vmem>>) offsets(%dma_start3A_77 : memref<64xi32, #tpu.memory_space<vmem>>) semaphore(%arg12 : memref<!tpu.dma_semaphore, #tpu.memory_space<semaphore_mem>>)
      %dma_start3A_81 = arith.constant 512 : i32
      %dma_start3A_82 = arith.constant 0 : i32
      %dma_start3A_83 = tpu.memref_slice %arg10[%dma_start3A_81, %dma_start3A_82] : memref<832x128xf32, #tpu.memory_space<vmem>> -> memref<64x128xf32, #tpu.memory_space<vmem>>
      %dma_start3A_84 = arith.constant 512 : i32
      %dma_start3A_85 = tpu.memref_slice %arg8[%dma_start3A_84] : memref<832xi32, #tpu.memory_space<vmem>> -> memref<64xi32, #tpu.memory_space<vmem>>
      %dma_start3A_86 = arith.constant 0 : i32
      %dma_start3A_87 = arith.constant 0 : i32
      %dma_start3A_88 = tpu.memref_slice %arg3[%dma_start3A_86, %dma_start3A_87] : memref<650000x128xf32, #tpu.memory_space<hbm>> -> memref<650000x128xf32, #tpu.memory_space<hbm>>
      tpu.enqueue_indirect_dma source(%dma_start3A_88 : memref<650000x128xf32, #tpu.memory_space<hbm>>) target(%dma_start3A_83 : memref<64x128xf32, #tpu.memory_space<vmem>>) offsets(%dma_start3A_85 : memref<64xi32, #tpu.memory_space<vmem>>) semaphore(%arg12 : memref<!tpu.dma_semaphore, #tpu.memory_space<semaphore_mem>>)
      %dma_start3A_89 = arith.constant 576 : i32
      %dma_start3A_90 = arith.constant 0 : i32
      %dma_start3A_91 = tpu.memref_slice %arg10[%dma_start3A_89, %dma_start3A_90] : memref<832x128xf32, #tpu.memory_space<vmem>> -> memref<64x128xf32, #tpu.memory_space<vmem>>
      %dma_start3A_92 = arith.constant 576 : i32
      %dma_start3A_93 = tpu.memref_slice %arg8[%dma_start3A_92] : memref<832xi32, #tpu.memory_space<vmem>> -> memref<64xi32, #tpu.memory_space<vmem>>
      %dma_start3A_94 = arith.constant 0 : i32
      %dma_start3A_95 = arith.constant 0 : i32
      %dma_start3A_96 = tpu.memref_slice %arg3[%dma_start3A_94, %dma_start3A_95] : memref<650000x128xf32, #tpu.memory_space<hbm>> -> memref<650000x128xf32, #tpu.memory_space<hbm>>
      tpu.enqueue_indirect_dma source(%dma_start3A_96 : memref<650000x128xf32, #tpu.memory_space<hbm>>) target(%dma_start3A_91 : memref<64x128xf32, #tpu.memory_space<vmem>>) offsets(%dma_start3A_93 : memref<64xi32, #tpu.memory_space<vmem>>) semaphore(%arg12 : memref<!tpu.dma_semaphore, #tpu.memory_space<semaphore_mem>>)
      %dma_start3A_97 = arith.constant 640 : i32
      %dma_start3A_98 = arith.constant 0 : i32
      %dma_start3A_99 = tpu.memref_slice %arg10[%dma_start3A_97, %dma_start3A_98] : memref<832x128xf32, #tpu.memory_space<vmem>> -> memref<64x128xf32, #tpu.memory_space<vmem>>
      %dma_start3A_100 = arith.constant 640 : i32
      %dma_start3A_101 = tpu.memref_slice %arg8[%dma_start3A_100] : memref<832xi32, #tpu.memory_space<vmem>> -> memref<64xi32, #tpu.memory_space<vmem>>
      %dma_start3A_102 = arith.constant 0 : i32
      %dma_start3A_103 = arith.constant 0 : i32
      %dma_start3A_104 = tpu.memref_slice %arg3[%dma_start3A_102, %dma_start3A_103] : memref<650000x128xf32, #tpu.memory_space<hbm>> -> memref<650000x128xf32, #tpu.memory_space<hbm>>
      tpu.enqueue_indirect_dma source(%dma_start3A_104 : memref<650000x128xf32, #tpu.memory_space<hbm>>) target(%dma_start3A_99 : memref<64x128xf32, #tpu.memory_space<vmem>>) offsets(%dma_start3A_101 : memref<64xi32, #tpu.memory_space<vmem>>) semaphore(%arg12 : memref<!tpu.dma_semaphore, #tpu.memory_space<semaphore_mem>>)
      %dma_start3A_105 = arith.constant 704 : i32
      %dma_start3A_106 = arith.constant 0 : i32
      %dma_start3A_107 = tpu.memref_slice %arg10[%dma_start3A_105, %dma_start3A_106] : memref<832x128xf32, #tpu.memory_space<vmem>> -> memref<64x128xf32, #tpu.memory_space<vmem>>
      %dma_start3A_108 = arith.constant 704 : i32
      %dma_start3A_109 = tpu.memref_slice %arg8[%dma_start3A_108] : memref<832xi32, #tpu.memory_space<vmem>> -> memref<64xi32, #tpu.memory_space<vmem>>
      %dma_start3A_110 = arith.constant 0 : i32
      %dma_start3A_111 = arith.constant 0 : i32
      %dma_start3A_112 = tpu.memref_slice %arg3[%dma_start3A_110, %dma_start3A_111] : memref<650000x128xf32, #tpu.memory_space<hbm>> -> memref<650000x128xf32, #tpu.memory_space<hbm>>
      tpu.enqueue_indirect_dma source(%dma_start3A_112 : memref<650000x128xf32, #tpu.memory_space<hbm>>) target(%dma_start3A_107 : memref<64x128xf32, #tpu.memory_space<vmem>>) offsets(%dma_start3A_109 : memref<64xi32, #tpu.memory_space<vmem>>) semaphore(%arg12 : memref<!tpu.dma_semaphore, #tpu.memory_space<semaphore_mem>>)
      %dma_start3A_113 = arith.constant 768 : i32
      %dma_start3A_114 = arith.constant 0 : i32
      %dma_start3A_115 = tpu.memref_slice %arg10[%dma_start3A_113, %dma_start3A_114] : memref<832x128xf32, #tpu.memory_space<vmem>> -> memref<64x128xf32, #tpu.memory_space<vmem>>
      %dma_start3A_116 = arith.constant 768 : i32
      %dma_start3A_117 = tpu.memref_slice %arg8[%dma_start3A_116] : memref<832xi32, #tpu.memory_space<vmem>> -> memref<64xi32, #tpu.memory_space<vmem>>
      %dma_start3A_118 = arith.constant 0 : i32
      %dma_start3A_119 = arith.constant 0 : i32
      %dma_start3A_120 = tpu.memref_slice %arg3[%dma_start3A_118, %dma_start3A_119] : memref<650000x128xf32, #tpu.memory_space<hbm>> -> memref<650000x128xf32, #tpu.memory_space<hbm>>
      tpu.enqueue_indirect_dma source(%dma_start3A_120 : memref<650000x128xf32, #tpu.memory_space<hbm>>) target(%dma_start3A_115 : memref<64x128xf32, #tpu.memory_space<vmem>>) offsets(%dma_start3A_117 : memref<64xi32, #tpu.memory_space<vmem>>) semaphore(%arg12 : memref<!tpu.dma_semaphore, #tpu.memory_space<semaphore_mem>>)
      %dma_wait3A = arith.constant 0 : i32
      %dma_wait3A_121 = arith.constant 0 : i32
      %dma_wait3A_122 = tpu.memref_slice %arg10[%dma_wait3A, %dma_wait3A_121] : memref<832x128xf32, #tpu.memory_space<vmem>> -> memref<64x128xf32, #tpu.memory_space<vmem>>
      %dma_wait3A_123 = arith.constant 0 : i32
      %dma_wait3A_124 = tpu.memref_slice %arg8[%dma_wait3A_123] : memref<832xi32, #tpu.memory_space<vmem>> -> memref<64xi32, #tpu.memory_space<vmem>>
      %dma_wait3A_125 = arith.constant 0 : i32
      %dma_wait3A_126 = arith.constant 0 : i32
      %dma_wait3A_127 = tpu.memref_slice %arg3[%dma_wait3A_125, %dma_wait3A_126] : memref<650000x128xf32, #tpu.memory_space<hbm>> -> memref<650000x128xf32, #tpu.memory_space<hbm>>
      tpu.wait_indirect_dma semaphore(%arg12 : memref<!tpu.dma_semaphore, #tpu.memory_space<semaphore_mem>>) src(%dma_wait3A_127 : memref<650000x128xf32, #tpu.memory_space<hbm>>) dst(%dma_wait3A_122 : memref<64x128xf32, #tpu.memory_space<vmem>>)
      %dma_wait3A_128 = arith.constant 64 : i32
      %dma_wait3A_129 = arith.constant 0 : i32
      %dma_wait3A_130 = tpu.memref_slice %arg10[%dma_wait3A_128, %dma_wait3A_129] : memref<832x128xf32, #tpu.memory_space<vmem>> -> memref<64x128xf32, #tpu.memory_space<vmem>>
      %dma_wait3A_131 = arith.constant 64 : i32
      %dma_wait3A_132 = tpu.memref_slice %arg8[%dma_wait3A_131] : memref<832xi32, #tpu.memory_space<vmem>> -> memref<64xi32, #tpu.memory_space<vmem>>
      %dma_wait3A_133 = arith.constant 0 : i32
      %dma_wait3A_134 = arith.constant 0 : i32
      %dma_wait3A_135 = tpu.memref_slice %arg3[%dma_wait3A_133, %dma_wait3A_134] : memref<650000x128xf32, #tpu.memory_space<hbm>> -> memref<650000x128xf32, #tpu.memory_space<hbm>>
      tpu.wait_indirect_dma semaphore(%arg12 : memref<!tpu.dma_semaphore, #tpu.memory_space<semaphore_mem>>) src(%dma_wait3A_135 : memref<650000x128xf32, #tpu.memory_space<hbm>>) dst(%dma_wait3A_130 : memref<64x128xf32, #tpu.memory_space<vmem>>)
      %dma_wait3A_136 = arith.constant 128 : i32
      %dma_wait3A_137 = arith.constant 0 : i32
      %dma_wait3A_138 = tpu.memref_slice %arg10[%dma_wait3A_136, %dma_wait3A_137] : memref<832x128xf32, #tpu.memory_space<vmem>> -> memref<64x128xf32, #tpu.memory_space<vmem>>
      %dma_wait3A_139 = arith.constant 128 : i32
      %dma_wait3A_140 = tpu.memref_slice %arg8[%dma_wait3A_139] : memref<832xi32, #tpu.memory_space<vmem>> -> memref<64xi32, #tpu.memory_space<vmem>>
      %dma_wait3A_141 = arith.constant 0 : i32
      %dma_wait3A_142 = arith.constant 0 : i32
      %dma_wait3A_143 = tpu.memref_slice %arg3[%dma_wait3A_141, %dma_wait3A_142] : memref<650000x128xf32, #tpu.memory_space<hbm>> -> memref<650000x128xf32, #tpu.memory_space<hbm>>
      tpu.wait_indirect_dma semaphore(%arg12 : memref<!tpu.dma_semaphore, #tpu.memory_space<semaphore_mem>>) src(%dma_wait3A_143 : memref<650000x128xf32, #tpu.memory_space<hbm>>) dst(%dma_wait3A_138 : memref<64x128xf32, #tpu.memory_space<vmem>>)
      %dma_wait3A_144 = arith.constant 192 : i32
      %dma_wait3A_145 = arith.constant 0 : i32
      %dma_wait3A_146 = tpu.memref_slice %arg10[%dma_wait3A_144, %dma_wait3A_145] : memref<832x128xf32, #tpu.memory_space<vmem>> -> memref<64x128xf32, #tpu.memory_space<vmem>>
      %dma_wait3A_147 = arith.constant 192 : i32
      %dma_wait3A_148 = tpu.memref_slice %arg8[%dma_wait3A_147] : memref<832xi32, #tpu.memory_space<vmem>> -> memref<64xi32, #tpu.memory_space<vmem>>
      %dma_wait3A_149 = arith.constant 0 : i32
      %dma_wait3A_150 = arith.constant 0 : i32
      %dma_wait3A_151 = tpu.memref_slice %arg3[%dma_wait3A_149, %dma_wait3A_150] : memref<650000x128xf32, #tpu.memory_space<hbm>> -> memref<650000x128xf32, #tpu.memory_space<hbm>>
      tpu.wait_indirect_dma semaphore(%arg12 : memref<!tpu.dma_semaphore, #tpu.memory_space<semaphore_mem>>) src(%dma_wait3A_151 : memref<650000x128xf32, #tpu.memory_space<hbm>>) dst(%dma_wait3A_146 : memref<64x128xf32, #tpu.memory_space<vmem>>)
      %dma_wait3A_152 = arith.constant 256 : i32
      %dma_wait3A_153 = arith.constant 0 : i32
      %dma_wait3A_154 = tpu.memref_slice %arg10[%dma_wait3A_152, %dma_wait3A_153] : memref<832x128xf32, #tpu.memory_space<vmem>> -> memref<64x128xf32, #tpu.memory_space<vmem>>
      %dma_wait3A_155 = arith.constant 256 : i32
      %dma_wait3A_156 = tpu.memref_slice %arg8[%dma_wait3A_155] : memref<832xi32, #tpu.memory_space<vmem>> -> memref<64xi32, #tpu.memory_space<vmem>>
      %dma_wait3A_157 = arith.constant 0 : i32
      %dma_wait3A_158 = arith.constant 0 : i32
      %dma_wait3A_159 = tpu.memref_slice %arg3[%dma_wait3A_157, %dma_wait3A_158] : memref<650000x128xf32, #tpu.memory_space<hbm>> -> memref<650000x128xf32, #tpu.memory_space<hbm>>
      tpu.wait_indirect_dma semaphore(%arg12 : memref<!tpu.dma_semaphore, #tpu.memory_space<semaphore_mem>>) src(%dma_wait3A_159 : memref<650000x128xf32, #tpu.memory_space<hbm>>) dst(%dma_wait3A_154 : memref<64x128xf32, #tpu.memory_space<vmem>>)
      %dma_wait3A_160 = arith.constant 320 : i32
      %dma_wait3A_161 = arith.constant 0 : i32
      %dma_wait3A_162 = tpu.memref_slice %arg10[%dma_wait3A_160, %dma_wait3A_161] : memref<832x128xf32, #tpu.memory_space<vmem>> -> memref<64x128xf32, #tpu.memory_space<vmem>>
      %dma_wait3A_163 = arith.constant 320 : i32
      %dma_wait3A_164 = tpu.memref_slice %arg8[%dma_wait3A_163] : memref<832xi32, #tpu.memory_space<vmem>> -> memref<64xi32, #tpu.memory_space<vmem>>
      %dma_wait3A_165 = arith.constant 0 : i32
      %dma_wait3A_166 = arith.constant 0 : i32
      %dma_wait3A_167 = tpu.memref_slice %arg3[%dma_wait3A_165, %dma_wait3A_166] : memref<650000x128xf32, #tpu.memory_space<hbm>> -> memref<650000x128xf32, #tpu.memory_space<hbm>>
      tpu.wait_indirect_dma semaphore(%arg12 : memref<!tpu.dma_semaphore, #tpu.memory_space<semaphore_mem>>) src(%dma_wait3A_167 : memref<650000x128xf32, #tpu.memory_space<hbm>>) dst(%dma_wait3A_162 : memref<64x128xf32, #tpu.memory_space<vmem>>)
      %dma_wait3A_168 = arith.constant 384 : i32
      %dma_wait3A_169 = arith.constant 0 : i32
      %dma_wait3A_170 = tpu.memref_slice %arg10[%dma_wait3A_168, %dma_wait3A_169] : memref<832x128xf32, #tpu.memory_space<vmem>> -> memref<64x128xf32, #tpu.memory_space<vmem>>
      %dma_wait3A_171 = arith.constant 384 : i32
      %dma_wait3A_172 = tpu.memref_slice %arg8[%dma_wait3A_171] : memref<832xi32, #tpu.memory_space<vmem>> -> memref<64xi32, #tpu.memory_space<vmem>>
      %dma_wait3A_173 = arith.constant 0 : i32
      %dma_wait3A_174 = arith.constant 0 : i32
      %dma_wait3A_175 = tpu.memref_slice %arg3[%dma_wait3A_173, %dma_wait3A_174] : memref<650000x128xf32, #tpu.memory_space<hbm>> -> memref<650000x128xf32, #tpu.memory_space<hbm>>
      tpu.wait_indirect_dma semaphore(%arg12 : memref<!tpu.dma_semaphore, #tpu.memory_space<semaphore_mem>>) src(%dma_wait3A_175 : memref<650000x128xf32, #tpu.memory_space<hbm>>) dst(%dma_wait3A_170 : memref<64x128xf32, #tpu.memory_space<vmem>>)
      %dma_wait3A_176 = arith.constant 448 : i32
      %dma_wait3A_177 = arith.constant 0 : i32
      %dma_wait3A_178 = tpu.memref_slice %arg10[%dma_wait3A_176, %dma_wait3A_177] : memref<832x128xf32, #tpu.memory_space<vmem>> -> memref<64x128xf32, #tpu.memory_space<vmem>>
      %dma_wait3A_179 = arith.constant 448 : i32
      %dma_wait3A_180 = tpu.memref_slice %arg8[%dma_wait3A_179] : memref<832xi32, #tpu.memory_space<vmem>> -> memref<64xi32, #tpu.memory_space<vmem>>
      %dma_wait3A_181 = arith.constant 0 : i32
      %dma_wait3A_182 = arith.constant 0 : i32
      %dma_wait3A_183 = tpu.memref_slice %arg3[%dma_wait3A_181, %dma_wait3A_182] : memref<650000x128xf32, #tpu.memory_space<hbm>> -> memref<650000x128xf32, #tpu.memory_space<hbm>>
      tpu.wait_indirect_dma semaphore(%arg12 : memref<!tpu.dma_semaphore, #tpu.memory_space<semaphore_mem>>) src(%dma_wait3A_183 : memref<650000x128xf32, #tpu.memory_space<hbm>>) dst(%dma_wait3A_178 : memref<64x128xf32, #tpu.memory_space<vmem>>)
      %dma_wait3A_184 = arith.constant 512 : i32
      %dma_wait3A_185 = arith.constant 0 : i32
      %dma_wait3A_186 = tpu.memref_slice %arg10[%dma_wait3A_184, %dma_wait3A_185] : memref<832x128xf32, #tpu.memory_space<vmem>> -> memref<64x128xf32, #tpu.memory_space<vmem>>
      %dma_wait3A_187 = arith.constant 512 : i32
      %dma_wait3A_188 = tpu.memref_slice %arg8[%dma_wait3A_187] : memref<832xi32, #tpu.memory_space<vmem>> -> memref<64xi32, #tpu.memory_space<vmem>>
      %dma_wait3A_189 = arith.constant 0 : i32
      %dma_wait3A_190 = arith.constant 0 : i32
      %dma_wait3A_191 = tpu.memref_slice %arg3[%dma_wait3A_189, %dma_wait3A_190] : memref<650000x128xf32, #tpu.memory_space<hbm>> -> memref<650000x128xf32, #tpu.memory_space<hbm>>
      tpu.wait_indirect_dma semaphore(%arg12 : memref<!tpu.dma_semaphore, #tpu.memory_space<semaphore_mem>>) src(%dma_wait3A_191 : memref<650000x128xf32, #tpu.memory_space<hbm>>) dst(%dma_wait3A_186 : memref<64x128xf32, #tpu.memory_space<vmem>>)
      %dma_wait3A_192 = arith.constant 576 : i32
      %dma_wait3A_193 = arith.constant 0 : i32
      %dma_wait3A_194 = tpu.memref_slice %arg10[%dma_wait3A_192, %dma_wait3A_193] : memref<832x128xf32, #tpu.memory_space<vmem>> -> memref<64x128xf32, #tpu.memory_space<vmem>>
      %dma_wait3A_195 = arith.constant 576 : i32
      %dma_wait3A_196 = tpu.memref_slice %arg8[%dma_wait3A_195] : memref<832xi32, #tpu.memory_space<vmem>> -> memref<64xi32, #tpu.memory_space<vmem>>
      %dma_wait3A_197 = arith.constant 0 : i32
      %dma_wait3A_198 = arith.constant 0 : i32
      %dma_wait3A_199 = tpu.memref_slice %arg3[%dma_wait3A_197, %dma_wait3A_198] : memref<650000x128xf32, #tpu.memory_space<hbm>> -> memref<650000x128xf32, #tpu.memory_space<hbm>>
      tpu.wait_indirect_dma semaphore(%arg12 : memref<!tpu.dma_semaphore, #tpu.memory_space<semaphore_mem>>) src(%dma_wait3A_199 : memref<650000x128xf32, #tpu.memory_space<hbm>>) dst(%dma_wait3A_194 : memref<64x128xf32, #tpu.memory_space<vmem>>)
      %dma_wait3A_200 = arith.constant 640 : i32
      %dma_wait3A_201 = arith.constant 0 : i32
      %dma_wait3A_202 = tpu.memref_slice %arg10[%dma_wait3A_200, %dma_wait3A_201] : memref<832x128xf32, #tpu.memory_space<vmem>> -> memref<64x128xf32, #tpu.memory_space<vmem>>
      %dma_wait3A_203 = arith.constant 640 : i32
      %dma_wait3A_204 = tpu.memref_slice %arg8[%dma_wait3A_203] : memref<832xi32, #tpu.memory_space<vmem>> -> memref<64xi32, #tpu.memory_space<vmem>>
      %dma_wait3A_205 = arith.constant 0 : i32
      %dma_wait3A_206 = arith.constant 0 : i32
      %dma_wait3A_207 = tpu.memref_slice %arg3[%dma_wait3A_205, %dma_wait3A_206] : memref<650000x128xf32, #tpu.memory_space<hbm>> -> memref<650000x128xf32, #tpu.memory_space<hbm>>
      tpu.wait_indirect_dma semaphore(%arg12 : memref<!tpu.dma_semaphore, #tpu.memory_space<semaphore_mem>>) src(%dma_wait3A_207 : memref<650000x128xf32, #tpu.memory_space<hbm>>) dst(%dma_wait3A_202 : memref<64x128xf32, #tpu.memory_space<vmem>>)
      %dma_wait3A_208 = arith.constant 704 : i32
      %dma_wait3A_209 = arith.constant 0 : i32
      %dma_wait3A_210 = tpu.memref_slice %arg10[%dma_wait3A_208, %dma_wait3A_209] : memref<832x128xf32, #tpu.memory_space<vmem>> -> memref<64x128xf32, #tpu.memory_space<vmem>>
      %dma_wait3A_211 = arith.constant 704 : i32
      %dma_wait3A_212 = tpu.memref_slice %arg8[%dma_wait3A_211] : memref<832xi32, #tpu.memory_space<vmem>> -> memref<64xi32, #tpu.memory_space<vmem>>
      %dma_wait3A_213 = arith.constant 0 : i32
      %dma_wait3A_214 = arith.constant 0 : i32
      %dma_wait3A_215 = tpu.memref_slice %arg3[%dma_wait3A_213, %dma_wait3A_214] : memref<650000x128xf32, #tpu.memory_space<hbm>> -> memref<650000x128xf32, #tpu.memory_space<hbm>>
      tpu.wait_indirect_dma semaphore(%arg12 : memref<!tpu.dma_semaphore, #tpu.memory_space<semaphore_mem>>) src(%dma_wait3A_215 : memref<650000x128xf32, #tpu.memory_space<hbm>>) dst(%dma_wait3A_210 : memref<64x128xf32, #tpu.memory_space<vmem>>)
      %dma_wait3A_216 = arith.constant 768 : i32
      %dma_wait3A_217 = arith.constant 0 : i32
      %dma_wait3A_218 = tpu.memref_slice %arg10[%dma_wait3A_216, %dma_wait3A_217] : memref<832x128xf32, #tpu.memory_space<vmem>> -> memref<64x128xf32, #tpu.memory_space<vmem>>
      %dma_wait3A_219 = arith.constant 768 : i32
      %dma_wait3A_220 = tpu.memref_slice %arg8[%dma_wait3A_219] : memref<832xi32, #tpu.memory_space<vmem>> -> memref<64xi32, #tpu.memory_space<vmem>>
      %dma_wait3A_221 = arith.constant 0 : i32
      %dma_wait3A_222 = arith.constant 0 : i32
      %dma_wait3A_223 = tpu.memref_slice %arg3[%dma_wait3A_221, %dma_wait3A_222] : memref<650000x128xf32, #tpu.memory_space<hbm>> -> memref<650000x128xf32, #tpu.memory_space<hbm>>
      tpu.wait_indirect_dma semaphore(%arg12 : memref<!tpu.dma_semaphore, #tpu.memory_space<semaphore_mem>>) src(%dma_wait3A_223 : memref<650000x128xf32, #tpu.memory_space<hbm>>) dst(%dma_wait3A_218 : memref<64x128xf32, #tpu.memory_space<vmem>>)
      %scan3A_224 = arith.constant 0 : i32
      %scan3A_225 = arith.constant 0 : i32
      %scan3A_226 = arith.constant 32 : i32
      %scan3A_227 = arith.addi %scan3A_225, %scan3A_226 : i32
      %scan3A_228 = arith.constant 1 : i32
      scf.for %scan3A_235 = %scan3A_225 to %scan3A_227 step %scan3A_228  : i32 {
        %mul3A_236 = arith.constant 26 : i32
        %mul3A_237 = arith.muli %scan3A_235, %mul3A_236 : i32
        %get3A = arith.index_cast %mul3A_237 : i32 to index
        %get3A_238 = tpu.vector_load %arg9[%get3A] {strides = array<i32>} : memref<832xi32, #tpu.memory_space<vmem>>, vector<16xi32>,
        %add3A_239 = arith.constant 26 : i32
        %add3A_240 = arith.addi %mul3A_237, %add3A_239 : i32
        %sub3A = arith.constant 16 : i32
        %sub3A_241 = arith.subi %add3A_240, %sub3A : i32
        %get3A_242 = arith.index_cast %sub3A_241 : i32 to index
        %get3A_243 = tpu.vector_load %arg9[%get3A_242] {strides = array<i32>} : memref<832xi32, #tpu.memory_space<vmem>>, vector<16xi32>,
        %slice3A = vector.extract_strided_slice %get3A_238 {offsets = [0], sizes = [1], strides = [1]} : vector<16xi32> to vector<1xi32>
        %squeeze3A = vector.extract %slice3A[0] : i32 from vector<1xi32>
        %get3A_244 = arith.index_cast %mul3A_237 : i32 to index
        %get3A_245 = arith.index_cast %squeeze3A : i32 to index
        %get3A_246 = tpu.vector_load %arg10[%get3A_244, %get3A_245] {strides = array<i32>} : memref<832x128xf32, #tpu.memory_space<vmem>>, vector<16xf32>,
        %add3A_247 = arith.constant 16 : i32
        %add3A_248 = arith.addi %squeeze3A, %add3A_247 : i32
        %get3A_249 = arith.index_cast %mul3A_237 : i32 to index
        %get3A_250 = arith.index_cast %add3A_248 : i32 to index
        %get3A_251 = tpu.vector_load %arg10[%get3A_249, %get3A_250] {strides = array<i32>} : memref<832x128xf32, #tpu.memory_space<vmem>>, vector<16xf32>,
        %slice3A_252 = vector.extract_strided_slice %get3A_238 {offsets = [1], sizes = [1], strides = [1]} : vector<16xi32> to vector<1xi32>
        %squeeze3A_253 = vector.extract %slice3A_252[0] : i32 from vector<1xi32>
        %add3A_254 = arith.constant 1 : i32
        %add3A_255 = arith.addi %mul3A_237, %add3A_254 : i32
        %get3A_256 = arith.index_cast %add3A_255 : i32 to index
        %get3A_257 = arith.index_cast %squeeze3A_253 : i32 to index
        %get3A_258 = tpu.vector_load %arg10[%get3A_256, %get3A_257] {strides = array<i32>} : memref<832x128xf32, #tpu.memory_space<vmem>>, vector<16xf32>,
        %add3A_259 = arith.addf %get3A_246, %get3A_258 : vector<16xf32>
        %add3A_260 = arith.constant 1 : i32
        %add3A_261 = arith.addi %mul3A_237, %add3A_260 : i32
        %add3A_262 = arith.constant 16 : i32
        %add3A_263 = arith.addi %squeeze3A_253, %add3A_262 : i32
        %get3A_264 = arith.index_cast %add3A_261 : i32 to index
        %get3A_265 = arith.index_cast %add3A_263 : i32 to index
        %get3A_266 = tpu.vector_load %arg10[%get3A_264, %get3A_265] {strides = array<i32>} : memref<832x128xf32, #tpu.memory_space<vmem>>, vector<16xf32>,
        %add3A_267 = arith.addf %get3A_251, %get3A_266 : vector<16xf32>
        %slice3A_268 = vector.extract_strided_slice %get3A_238 {offsets = [2], sizes = [1], strides = [1]} : vector<16xi32> to vector<1xi32>
        %squeeze3A_269 = vector.extract %slice3A_268[0] : i32 from vector<1xi32>
        %add3A_270 = arith.constant 2 : i32
        %add3A_271 = arith.addi %mul3A_237, %add3A_270 : i32
        %get3A_272 = arith.index_cast %add3A_271 : i32 to index
        %get3A_273 = arith.index_cast %squeeze3A_269 : i32 to index
        %get3A_274 = tpu.vector_load %arg10[%get3A_272, %get3A_273] {strides = array<i32>} : memref<832x128xf32, #tpu.memory_space<vmem>>, vector<16xf32>,
        %add3A_275 = arith.addf %add3A_259, %get3A_274 : vector<16xf32>
        %add3A_276 = arith.constant 2 : i32
        %add3A_277 = arith.addi %mul3A_237, %add3A_276 : i32
        %add3A_278 = arith.constant 16 : i32
        %add3A_279 = arith.addi %squeeze3A_269, %add3A_278 : i32
        %get3A_280 = arith.index_cast %add3A_277 : i32 to index
        %get3A_281 = arith.index_cast %add3A_279 : i32 to index
        %get3A_282 = tpu.vector_load %arg10[%get3A_280, %get3A_281] {strides = array<i32>} : memref<832x128xf32, #tpu.memory_space<vmem>>, vector<16xf32>,
        %add3A_283 = arith.addf %add3A_267, %get3A_282 : vector<16xf32>
        %slice3A_284 = vector.extract_strided_slice %get3A_238 {offsets = [3], sizes = [1], strides = [1]} : vector<16xi32> to vector<1xi32>
        %squeeze3A_285 = vector.extract %slice3A_284[0] : i32 from vector<1xi32>
        %add3A_286 = arith.constant 3 : i32
        %add3A_287 = arith.addi %mul3A_237, %add3A_286 : i32
        %get3A_288 = arith.index_cast %add3A_287 : i32 to index
        %get3A_289 = arith.index_cast %squeeze3A_285 : i32 to index
        %get3A_290 = tpu.vector_load %arg10[%get3A_288, %get3A_289] {strides = array<i32>} : memref<832x128xf32, #tpu.memory_space<vmem>>, vector<16xf32>,
        %add3A_291 = arith.addf %add3A_275, %get3A_290 : vector<16xf32>
        %add3A_292 = arith.constant 3 : i32
        %add3A_293 = arith.addi %mul3A_237, %add3A_292 : i32
        %add3A_294 = arith.constant 16 : i32
        %add3A_295 = arith.addi %squeeze3A_285, %add3A_294 : i32
        %get3A_296 = arith.index_cast %add3A_293 : i32 to index
        %get3A_297 = arith.index_cast %add3A_295 : i32 to index
        %get3A_298 = tpu.vector_load %arg10[%get3A_296, %get3A_297] {strides = array<i32>} : memref<832x128xf32, #tpu.memory_space<vmem>>, vector<16xf32>,
        %add3A_299 = arith.addf %add3A_283, %get3A_298 : vector<16xf32>
        %slice3A_300 = vector.extract_strided_slice %get3A_238 {offsets = [4], sizes = [1], strides = [1]} : vector<16xi32> to vector<1xi32>
        %squeeze3A_301 = vector.extract %slice3A_300[0] : i32 from vector<1xi32>
        %add3A_302 = arith.constant 4 : i32
        %add3A_303 = arith.addi %mul3A_237, %add3A_302 : i32
        %get3A_304 = arith.index_cast %add3A_303 : i32 to index
        %get3A_305 = arith.index_cast %squeeze3A_301 : i32 to index
        %get3A_306 = tpu.vector_load %arg10[%get3A_304, %get3A_305] {strides = array<i32>} : memref<832x128xf32, #tpu.memory_space<vmem>>, vector<16xf32>,
        %add3A_307 = arith.addf %add3A_291, %get3A_306 : vector<16xf32>
        %add3A_308 = arith.constant 4 : i32
        %add3A_309 = arith.addi %mul3A_237, %add3A_308 : i32
        %add3A_310 = arith.constant 16 : i32
        %add3A_311 = arith.addi %squeeze3A_301, %add3A_310 : i32
        %get3A_312 = arith.index_cast %add3A_309 : i32 to index
        %get3A_313 = arith.index_cast %add3A_311 : i32 to index
        %get3A_314 = tpu.vector_load %arg10[%get3A_312, %get3A_313] {strides = array<i32>} : memref<832x128xf32, #tpu.memory_space<vmem>>, vector<16xf32>,
        %add3A_315 = arith.addf %add3A_299, %get3A_314 : vector<16xf32>
        %slice3A_316 = vector.extract_strided_slice %get3A_238 {offsets = [5], sizes = [1], strides = [1]} : vector<16xi32> to vector<1xi32>
        %squeeze3A_317 = vector.extract %slice3A_316[0] : i32 from vector<1xi32>
        %add3A_318 = arith.constant 5 : i32
        %add3A_319 = arith.addi %mul3A_237, %add3A_318 : i32
        %get3A_320 = arith.index_cast %add3A_319 : i32 to index
        %get3A_321 = arith.index_cast %squeeze3A_317 : i32 to index
        %get3A_322 = tpu.vector_load %arg10[%get3A_320, %get3A_321] {strides = array<i32>} : memref<832x128xf32, #tpu.memory_space<vmem>>, vector<16xf32>,
        %add3A_323 = arith.addf %add3A_307, %get3A_322 : vector<16xf32>
        %add3A_324 = arith.constant 5 : i32
        %add3A_325 = arith.addi %mul3A_237, %add3A_324 : i32
        %add3A_326 = arith.constant 16 : i32
        %add3A_327 = arith.addi %squeeze3A_317, %add3A_326 : i32
        %get3A_328 = arith.index_cast %add3A_325 : i32 to index
        %get3A_329 = arith.index_cast %add3A_327 : i32 to index
        %get3A_330 = tpu.vector_load %arg10[%get3A_328, %get3A_329] {strides = array<i32>} : memref<832x128xf32, #tpu.memory_space<vmem>>, vector<16xf32>,
        %add3A_331 = arith.addf %add3A_315, %get3A_330 : vector<16xf32>
        %slice3A_332 = vector.extract_strided_slice %get3A_238 {offsets = [6], sizes = [1], strides = [1]} : vector<16xi32> to vector<1xi32>
        %squeeze3A_333 = vector.extract %slice3A_332[0] : i32 from vector<1xi32>
        %add3A_334 = arith.constant 6 : i32
        %add3A_335 = arith.addi %mul3A_237, %add3A_334 : i32
        %get3A_336 = arith.index_cast %add3A_335 : i32 to index
        %get3A_337 = arith.index_cast %squeeze3A_333 : i32 to index
        %get3A_338 = tpu.vector_load %arg10[%get3A_336, %get3A_337] {strides = array<i32>} : memref<832x128xf32, #tpu.memory_space<vmem>>, vector<16xf32>,
        %add3A_339 = arith.addf %add3A_323, %get3A_338 : vector<16xf32>
        %add3A_340 = arith.constant 6 : i32
        %add3A_341 = arith.addi %mul3A_237, %add3A_340 : i32
        %add3A_342 = arith.constant 16 : i32
        %add3A_343 = arith.addi %squeeze3A_333, %add3A_342 : i32
        %get3A_344 = arith.index_cast %add3A_341 : i32 to index
        %get3A_345 = arith.index_cast %add3A_343 : i32 to index
        %get3A_346 = tpu.vector_load %arg10[%get3A_344, %get3A_345] {strides = array<i32>} : memref<832x128xf32, #tpu.memory_space<vmem>>, vector<16xf32>,
        %add3A_347 = arith.addf %add3A_331, %get3A_346 : vector<16xf32>
        %slice3A_348 = vector.extract_strided_slice %get3A_238 {offsets = [7], sizes = [1], strides = [1]} : vector<16xi32> to vector<1xi32>
        %squeeze3A_349 = vector.extract %slice3A_348[0] : i32 from vector<1xi32>
        %add3A_350 = arith.constant 7 : i32
        %add3A_351 = arith.addi %mul3A_237, %add3A_350 : i32
        %get3A_352 = arith.index_cast %add3A_351 : i32 to index
        %get3A_353 = arith.index_cast %squeeze3A_349 : i32 to index
        %get3A_354 = tpu.vector_load %arg10[%get3A_352, %get3A_353] {strides = array<i32>} : memref<832x128xf32, #tpu.memory_space<vmem>>, vector<16xf32>,
        %add3A_355 = arith.addf %add3A_339, %get3A_354 : vector<16xf32>
        %add3A_356 = arith.constant 7 : i32
        %add3A_357 = arith.addi %mul3A_237, %add3A_356 : i32
        %add3A_358 = arith.constant 16 : i32
        %add3A_359 = arith.addi %squeeze3A_349, %add3A_358 : i32
        %get3A_360 = arith.index_cast %add3A_357 : i32 to index
        %get3A_361 = arith.index_cast %add3A_359 : i32 to index
        %get3A_362 = tpu.vector_load %arg10[%get3A_360, %get3A_361] {strides = array<i32>} : memref<832x128xf32, #tpu.memory_space<vmem>>, vector<16xf32>,
        %add3A_363 = arith.addf %add3A_347, %get3A_362 : vector<16xf32>
        %slice3A_364 = vector.extract_strided_slice %get3A_238 {offsets = [8], sizes = [1], strides = [1]} : vector<16xi32> to vector<1xi32>
        %squeeze3A_365 = vector.extract %slice3A_364[0] : i32 from vector<1xi32>
        %add3A_366 = arith.constant 8 : i32
        %add3A_367 = arith.addi %mul3A_237, %add3A_366 : i32
        %get3A_368 = arith.index_cast %add3A_367 : i32 to index
        %get3A_369 = arith.index_cast %squeeze3A_365 : i32 to index
        %get3A_370 = tpu.vector_load %arg10[%get3A_368, %get3A_369] {strides = array<i32>} : memref<832x128xf32, #tpu.memory_space<vmem>>, vector<16xf32>,
        %add3A_371 = arith.addf %add3A_355, %get3A_370 : vector<16xf32>
        %add3A_372 = arith.constant 8 : i32
        %add3A_373 = arith.addi %mul3A_237, %add3A_372 : i32
        %add3A_374 = arith.constant 16 : i32
        %add3A_375 = arith.addi %squeeze3A_365, %add3A_374 : i32
        %get3A_376 = arith.index_cast %add3A_373 : i32 to index
        %get3A_377 = arith.index_cast %add3A_375 : i32 to index
        %get3A_378 = tpu.vector_load %arg10[%get3A_376, %get3A_377] {strides = array<i32>} : memref<832x128xf32, #tpu.memory_space<vmem>>, vector<16xf32>,
        %add3A_379 = arith.addf %add3A_363, %get3A_378 : vector<16xf32>
        %slice3A_380 = vector.extract_strided_slice %get3A_238 {offsets = [9], sizes = [1], strides = [1]} : vector<16xi32> to vector<1xi32>
        %squeeze3A_381 = vector.extract %slice3A_380[0] : i32 from vector<1xi32>
        %add3A_382 = arith.constant 9 : i32
        %add3A_383 = arith.addi %mul3A_237, %add3A_382 : i32
        %get3A_384 = arith.index_cast %add3A_383 : i32 to index
        %get3A_385 = arith.index_cast %squeeze3A_381 : i32 to index
        %get3A_386 = tpu.vector_load %arg10[%get3A_384, %get3A_385] {strides = array<i32>} : memref<832x128xf32, #tpu.memory_space<vmem>>, vector<16xf32>,
        %add3A_387 = arith.addf %add3A_371, %get3A_386 : vector<16xf32>
        %add3A_388 = arith.constant 9 : i32
        %add3A_389 = arith.addi %mul3A_237, %add3A_388 : i32
        %add3A_390 = arith.constant 16 : i32
        %add3A_391 = arith.addi %squeeze3A_381, %add3A_390 : i32
        %get3A_392 = arith.index_cast %add3A_389 : i32 to index
        %get3A_393 = arith.index_cast %add3A_391 : i32 to index
        %get3A_394 = tpu.vector_load %arg10[%get3A_392, %get3A_393] {strides = array<i32>} : memref<832x128xf32, #tpu.memory_space<vmem>>, vector<16xf32>,
        %add3A_395 = arith.addf %add3A_379, %get3A_394 : vector<16xf32>
        %slice3A_396 = vector.extract_strided_slice %get3A_238 {offsets = [10], sizes = [1], strides = [1]} : vector<16xi32> to vector<1xi32>
        %squeeze3A_397 = vector.extract %slice3A_396[0] : i32 from vector<1xi32>
        %add3A_398 = arith.constant 10 : i32
        %add3A_399 = arith.addi %mul3A_237, %add3A_398 : i32
        %get3A_400 = arith.index_cast %add3A_399 : i32 to index
        %get3A_401 = arith.index_cast %squeeze3A_397 : i32 to index
        %get3A_402 = tpu.vector_load %arg10[%get3A_400, %get3A_401] {strides = array<i32>} : memref<832x128xf32, #tpu.memory_space<vmem>>, vector<16xf32>,
        %add3A_403 = arith.addf %add3A_387, %get3A_402 : vector<16xf32>
        %add3A_404 = arith.constant 10 : i32
        %add3A_405 = arith.addi %mul3A_237, %add3A_404 : i32
        %add3A_406 = arith.constant 16 : i32
        %add3A_407 = arith.addi %squeeze3A_397, %add3A_406 : i32
        %get3A_408 = arith.index_cast %add3A_405 : i32 to index
        %get3A_409 = arith.index_cast %add3A_407 : i32 to index
        %get3A_410 = tpu.vector_load %arg10[%get3A_408, %get3A_409] {strides = array<i32>} : memref<832x128xf32, #tpu.memory_space<vmem>>, vector<16xf32>,
        %add3A_411 = arith.addf %add3A_395, %get3A_410 : vector<16xf32>
        %slice3A_412 = vector.extract_strided_slice %get3A_238 {offsets = [11], sizes = [1], strides = [1]} : vector<16xi32> to vector<1xi32>
        %squeeze3A_413 = vector.extract %slice3A_412[0] : i32 from vector<1xi32>
        %add3A_414 = arith.constant 11 : i32
        %add3A_415 = arith.addi %mul3A_237, %add3A_414 : i32
        %get3A_416 = arith.index_cast %add3A_415 : i32 to index
        %get3A_417 = arith.index_cast %squeeze3A_413 : i32 to index
        %get3A_418 = tpu.vector_load %arg10[%get3A_416, %get3A_417] {strides = array<i32>} : memref<832x128xf32, #tpu.memory_space<vmem>>, vector<16xf32>,
        %add3A_419 = arith.addf %add3A_403, %get3A_418 : vector<16xf32>
        %add3A_420 = arith.constant 11 : i32
        %add3A_421 = arith.addi %mul3A_237, %add3A_420 : i32
        %add3A_422 = arith.constant 16 : i32
        %add3A_423 = arith.addi %squeeze3A_413, %add3A_422 : i32
        %get3A_424 = arith.index_cast %add3A_421 : i32 to index
        %get3A_425 = arith.index_cast %add3A_423 : i32 to index
        %get3A_426 = tpu.vector_load %arg10[%get3A_424, %get3A_425] {strides = array<i32>} : memref<832x128xf32, #tpu.memory_space<vmem>>, vector<16xf32>,
        %add3A_427 = arith.addf %add3A_411, %get3A_426 : vector<16xf32>
        %slice3A_428 = vector.extract_strided_slice %get3A_238 {offsets = [12], sizes = [1], strides = [1]} : vector<16xi32> to vector<1xi32>
        %squeeze3A_429 = vector.extract %slice3A_428[0] : i32 from vector<1xi32>
        %add3A_430 = arith.constant 12 : i32
        %add3A_431 = arith.addi %mul3A_237, %add3A_430 : i32
        %get3A_432 = arith.index_cast %add3A_431 : i32 to index
        %get3A_433 = arith.index_cast %squeeze3A_429 : i32 to index
        %get3A_434 = tpu.vector_load %arg10[%get3A_432, %get3A_433] {strides = array<i32>} : memref<832x128xf32, #tpu.memory_space<vmem>>, vector<16xf32>,
        %add3A_435 = arith.addf %add3A_419, %get3A_434 : vector<16xf32>
        %add3A_436 = arith.constant 12 : i32
        %add3A_437 = arith.addi %mul3A_237, %add3A_436 : i32
        %add3A_438 = arith.constant 16 : i32
        %add3A_439 = arith.addi %squeeze3A_429, %add3A_438 : i32
        %get3A_440 = arith.index_cast %add3A_437 : i32 to index
        %get3A_441 = arith.index_cast %add3A_439 : i32 to index
        %get3A_442 = tpu.vector_load %arg10[%get3A_440, %get3A_441] {strides = array<i32>} : memref<832x128xf32, #tpu.memory_space<vmem>>, vector<16xf32>,
        %add3A_443 = arith.addf %add3A_427, %get3A_442 : vector<16xf32>
        %slice3A_444 = vector.extract_strided_slice %get3A_238 {offsets = [13], sizes = [1], strides = [1]} : vector<16xi32> to vector<1xi32>
        %squeeze3A_445 = vector.extract %slice3A_444[0] : i32 from vector<1xi32>
        %add3A_446 = arith.constant 13 : i32
        %add3A_447 = arith.addi %mul3A_237, %add3A_446 : i32
        %get3A_448 = arith.index_cast %add3A_447 : i32 to index
        %get3A_449 = arith.index_cast %squeeze3A_445 : i32 to index
        %get3A_450 = tpu.vector_load %arg10[%get3A_448, %get3A_449] {strides = array<i32>} : memref<832x128xf32, #tpu.memory_space<vmem>>, vector<16xf32>,
        %add3A_451 = arith.addf %add3A_435, %get3A_450 : vector<16xf32>
        %add3A_452 = arith.constant 13 : i32
        %add3A_453 = arith.addi %mul3A_237, %add3A_452 : i32
        %add3A_454 = arith.constant 16 : i32
        %add3A_455 = arith.addi %squeeze3A_445, %add3A_454 : i32
        %get3A_456 = arith.index_cast %add3A_453 : i32 to index
        %get3A_457 = arith.index_cast %add3A_455 : i32 to index
        %get3A_458 = tpu.vector_load %arg10[%get3A_456, %get3A_457] {strides = array<i32>} : memref<832x128xf32, #tpu.memory_space<vmem>>, vector<16xf32>,
        %add3A_459 = arith.addf %add3A_443, %get3A_458 : vector<16xf32>
        %slice3A_460 = vector.extract_strided_slice %get3A_238 {offsets = [14], sizes = [1], strides = [1]} : vector<16xi32> to vector<1xi32>
        %squeeze3A_461 = vector.extract %slice3A_460[0] : i32 from vector<1xi32>
        %add3A_462 = arith.constant 14 : i32
        %add3A_463 = arith.addi %mul3A_237, %add3A_462 : i32
        %get3A_464 = arith.index_cast %add3A_463 : i32 to index
        %get3A_465 = arith.index_cast %squeeze3A_461 : i32 to index
        %get3A_466 = tpu.vector_load %arg10[%get3A_464, %get3A_465] {strides = array<i32>} : memref<832x128xf32, #tpu.memory_space<vmem>>, vector<16xf32>,
        %add3A_467 = arith.addf %add3A_451, %get3A_466 : vector<16xf32>
        %add3A_468 = arith.constant 14 : i32
        %add3A_469 = arith.addi %mul3A_237, %add3A_468 : i32
        %add3A_470 = arith.constant 16 : i32
        %add3A_471 = arith.addi %squeeze3A_461, %add3A_470 : i32
        %get3A_472 = arith.index_cast %add3A_469 : i32 to index
        %get3A_473 = arith.index_cast %add3A_471 : i32 to index
        %get3A_474 = tpu.vector_load %arg10[%get3A_472, %get3A_473] {strides = array<i32>} : memref<832x128xf32, #tpu.memory_space<vmem>>, vector<16xf32>,
        %add3A_475 = arith.addf %add3A_459, %get3A_474 : vector<16xf32>
        %slice3A_476 = vector.extract_strided_slice %get3A_238 {offsets = [15], sizes = [1], strides = [1]} : vector<16xi32> to vector<1xi32>
        %squeeze3A_477 = vector.extract %slice3A_476[0] : i32 from vector<1xi32>
        %add3A_478 = arith.constant 15 : i32
        %add3A_479 = arith.addi %mul3A_237, %add3A_478 : i32
        %get3A_480 = arith.index_cast %add3A_479 : i32 to index
        %get3A_481 = arith.index_cast %squeeze3A_477 : i32 to index
        %get3A_482 = tpu.vector_load %arg10[%get3A_480, %get3A_481] {strides = array<i32>} : memref<832x128xf32, #tpu.memory_space<vmem>>, vector<16xf32>,
        %add3A_483 = arith.addf %add3A_467, %get3A_482 : vector<16xf32>
        %add3A_484 = arith.constant 15 : i32
        %add3A_485 = arith.addi %mul3A_237, %add3A_484 : i32
        %add3A_486 = arith.constant 16 : i32
        %add3A_487 = arith.addi %squeeze3A_477, %add3A_486 : i32
        %get3A_488 = arith.index_cast %add3A_485 : i32 to index
        %get3A_489 = arith.index_cast %add3A_487 : i32 to index
        %get3A_490 = tpu.vector_load %arg10[%get3A_488, %get3A_489] {strides = array<i32>} : memref<832x128xf32, #tpu.memory_space<vmem>>, vector<16xf32>,
        %add3A_491 = arith.addf %add3A_475, %get3A_490 : vector<16xf32>
        %slice3A_492 = vector.extract_strided_slice %get3A_243 {offsets = [6], sizes = [1], strides = [1]} : vector<16xi32> to vector<1xi32>
        %squeeze3A_493 = vector.extract %slice3A_492[0] : i32 from vector<1xi32>
        %add3A_494 = arith.constant 16 : i32
        %add3A_495 = arith.addi %mul3A_237, %add3A_494 : i32
        %get3A_496 = arith.index_cast %add3A_495 : i32 to index
        %get3A_497 = arith.index_cast %squeeze3A_493 : i32 to index
        %get3A_498 = tpu.vector_load %arg10[%get3A_496, %get3A_497] {strides = array<i32>} : memref<832x128xf32, #tpu.memory_space<vmem>>, vector<16xf32>,
        %add3A_499 = arith.addf %add3A_483, %get3A_498 : vector<16xf32>
        %add3A_500 = arith.constant 16 : i32
        %add3A_501 = arith.addi %mul3A_237, %add3A_500 : i32
        %add3A_502 = arith.constant 16 : i32
        %add3A_503 = arith.addi %squeeze3A_493, %add3A_502 : i32
        %get3A_504 = arith.index_cast %add3A_501 : i32 to index
        %get3A_505 = arith.index_cast %add3A_503 : i32 to index
        %get3A_506 = tpu.vector_load %arg10[%get3A_504, %get3A_505] {strides = array<i32>} : memref<832x128xf32, #tpu.memory_space<vmem>>, vector<16xf32>,
        %add3A_507 = arith.addf %add3A_491, %get3A_506 : vector<16xf32>
        %slice3A_508 = vector.extract_strided_slice %get3A_243 {offsets = [7], sizes = [1], strides = [1]} : vector<16xi32> to vector<1xi32>
        %squeeze3A_509 = vector.extract %slice3A_508[0] : i32 from vector<1xi32>
        %add3A_510 = arith.constant 17 : i32
        %add3A_511 = arith.addi %mul3A_237, %add3A_510 : i32
        %get3A_512 = arith.index_cast %add3A_511 : i32 to index
        %get3A_513 = arith.index_cast %squeeze3A_509 : i32 to index
        %get3A_514 = tpu.vector_load %arg10[%get3A_512, %get3A_513] {strides = array<i32>} : memref<832x128xf32, #tpu.memory_space<vmem>>, vector<16xf32>,
        %add3A_515 = arith.addf %add3A_499, %get3A_514 : vector<16xf32>
        %add3A_516 = arith.constant 17 : i32
        %add3A_517 = arith.addi %mul3A_237, %add3A_516 : i32
        %add3A_518 = arith.constant 16 : i32
        %add3A_519 = arith.addi %squeeze3A_509, %add3A_518 : i32
        %get3A_520 = arith.index_cast %add3A_517 : i32 to index
        %get3A_521 = arith.index_cast %add3A_519 : i32 to index
        %get3A_522 = tpu.vector_load %arg10[%get3A_520, %get3A_521] {strides = array<i32>} : memref<832x128xf32, #tpu.memory_space<vmem>>, vector<16xf32>,
        %add3A_523 = arith.addf %add3A_507, %get3A_522 : vector<16xf32>
        %slice3A_524 = vector.extract_strided_slice %get3A_243 {offsets = [8], sizes = [1], strides = [1]} : vector<16xi32> to vector<1xi32>
        %squeeze3A_525 = vector.extract %slice3A_524[0] : i32 from vector<1xi32>
        %add3A_526 = arith.constant 18 : i32
        %add3A_527 = arith.addi %mul3A_237, %add3A_526 : i32
        %get3A_528 = arith.index_cast %add3A_527 : i32 to index
        %get3A_529 = arith.index_cast %squeeze3A_525 : i32 to index
        %get3A_530 = tpu.vector_load %arg10[%get3A_528, %get3A_529] {strides = array<i32>} : memref<832x128xf32, #tpu.memory_space<vmem>>, vector<16xf32>,
        %add3A_531 = arith.addf %add3A_515, %get3A_530 : vector<16xf32>
        %add3A_532 = arith.constant 18 : i32
        %add3A_533 = arith.addi %mul3A_237, %add3A_532 : i32
        %add3A_534 = arith.constant 16 : i32
        %add3A_535 = arith.addi %squeeze3A_525, %add3A_534 : i32
        %get3A_536 = arith.index_cast %add3A_533 : i32 to index
        %get3A_537 = arith.index_cast %add3A_535 : i32 to index
        %get3A_538 = tpu.vector_load %arg10[%get3A_536, %get3A_537] {strides = array<i32>} : memref<832x128xf32, #tpu.memory_space<vmem>>, vector<16xf32>,
        %add3A_539 = arith.addf %add3A_523, %get3A_538 : vector<16xf32>
        %slice3A_540 = vector.extract_strided_slice %get3A_243 {offsets = [9], sizes = [1], strides = [1]} : vector<16xi32> to vector<1xi32>
        %squeeze3A_541 = vector.extract %slice3A_540[0] : i32 from vector<1xi32>
        %add3A_542 = arith.constant 19 : i32
        %add3A_543 = arith.addi %mul3A_237, %add3A_542 : i32
        %get3A_544 = arith.index_cast %add3A_543 : i32 to index
        %get3A_545 = arith.index_cast %squeeze3A_541 : i32 to index
        %get3A_546 = tpu.vector_load %arg10[%get3A_544, %get3A_545] {strides = array<i32>} : memref<832x128xf32, #tpu.memory_space<vmem>>, vector<16xf32>,
        %add3A_547 = arith.addf %add3A_531, %get3A_546 : vector<16xf32>
        %add3A_548 = arith.constant 19 : i32
        %add3A_549 = arith.addi %mul3A_237, %add3A_548 : i32
        %add3A_550 = arith.constant 16 : i32
        %add3A_551 = arith.addi %squeeze3A_541, %add3A_550 : i32
        %get3A_552 = arith.index_cast %add3A_549 : i32 to index
        %get3A_553 = arith.index_cast %add3A_551 : i32 to index
        %get3A_554 = tpu.vector_load %arg10[%get3A_552, %get3A_553] {strides = array<i32>} : memref<832x128xf32, #tpu.memory_space<vmem>>, vector<16xf32>,
        %add3A_555 = arith.addf %add3A_539, %get3A_554 : vector<16xf32>
        %slice3A_556 = vector.extract_strided_slice %get3A_243 {offsets = [10], sizes = [1], strides = [1]} : vector<16xi32> to vector<1xi32>
        %squeeze3A_557 = vector.extract %slice3A_556[0] : i32 from vector<1xi32>
        %add3A_558 = arith.constant 20 : i32
        %add3A_559 = arith.addi %mul3A_237, %add3A_558 : i32
        %get3A_560 = arith.index_cast %add3A_559 : i32 to index
        %get3A_561 = arith.index_cast %squeeze3A_557 : i32 to index
        %get3A_562 = tpu.vector_load %arg10[%get3A_560, %get3A_561] {strides = array<i32>} : memref<832x128xf32, #tpu.memory_space<vmem>>, vector<16xf32>,
        %add3A_563 = arith.addf %add3A_547, %get3A_562 : vector<16xf32>
        %add3A_564 = arith.constant 20 : i32
        %add3A_565 = arith.addi %mul3A_237, %add3A_564 : i32
        %add3A_566 = arith.constant 16 : i32
        %add3A_567 = arith.addi %squeeze3A_557, %add3A_566 : i32
        %get3A_568 = arith.index_cast %add3A_565 : i32 to index
        %get3A_569 = arith.index_cast %add3A_567 : i32 to index
        %get3A_570 = tpu.vector_load %arg10[%get3A_568, %get3A_569] {strides = array<i32>} : memref<832x128xf32, #tpu.memory_space<vmem>>, vector<16xf32>,
        %add3A_571 = arith.addf %add3A_555, %get3A_570 : vector<16xf32>
        %slice3A_572 = vector.extract_strided_slice %get3A_243 {offsets = [11], sizes = [1], strides = [1]} : vector<16xi32> to vector<1xi32>
        %squeeze3A_573 = vector.extract %slice3A_572[0] : i32 from vector<1xi32>
        %add3A_574 = arith.constant 21 : i32
        %add3A_575 = arith.addi %mul3A_237, %add3A_574 : i32
        %get3A_576 = arith.index_cast %add3A_575 : i32 to index
        %get3A_577 = arith.index_cast %squeeze3A_573 : i32 to index
        %get3A_578 = tpu.vector_load %arg10[%get3A_576, %get3A_577] {strides = array<i32>} : memref<832x128xf32, #tpu.memory_space<vmem>>, vector<16xf32>,
        %add3A_579 = arith.addf %add3A_563, %get3A_578 : vector<16xf32>
        %add3A_580 = arith.constant 21 : i32
        %add3A_581 = arith.addi %mul3A_237, %add3A_580 : i32
        %add3A_582 = arith.constant 16 : i32
        %add3A_583 = arith.addi %squeeze3A_573, %add3A_582 : i32
        %get3A_584 = arith.index_cast %add3A_581 : i32 to index
        %get3A_585 = arith.index_cast %add3A_583 : i32 to index
        %get3A_586 = tpu.vector_load %arg10[%get3A_584, %get3A_585] {strides = array<i32>} : memref<832x128xf32, #tpu.memory_space<vmem>>, vector<16xf32>,
        %add3A_587 = arith.addf %add3A_571, %get3A_586 : vector<16xf32>
        %slice3A_588 = vector.extract_strided_slice %get3A_243 {offsets = [12], sizes = [1], strides = [1]} : vector<16xi32> to vector<1xi32>
        %squeeze3A_589 = vector.extract %slice3A_588[0] : i32 from vector<1xi32>
        %add3A_590 = arith.constant 22 : i32
        %add3A_591 = arith.addi %mul3A_237, %add3A_590 : i32
        %get3A_592 = arith.index_cast %add3A_591 : i32 to index
        %get3A_593 = arith.index_cast %squeeze3A_589 : i32 to index
        %get3A_594 = tpu.vector_load %arg10[%get3A_592, %get3A_593] {strides = array<i32>} : memref<832x128xf32, #tpu.memory_space<vmem>>, vector<16xf32>,
        %add3A_595 = arith.addf %add3A_579, %get3A_594 : vector<16xf32>
        %add3A_596 = arith.constant 22 : i32
        %add3A_597 = arith.addi %mul3A_237, %add3A_596 : i32
        %add3A_598 = arith.constant 16 : i32
        %add3A_599 = arith.addi %squeeze3A_589, %add3A_598 : i32
        %get3A_600 = arith.index_cast %add3A_597 : i32 to index
        %get3A_601 = arith.index_cast %add3A_599 : i32 to index
        %get3A_602 = tpu.vector_load %arg10[%get3A_600, %get3A_601] {strides = array<i32>} : memref<832x128xf32, #tpu.memory_space<vmem>>, vector<16xf32>,
        %add3A_603 = arith.addf %add3A_587, %get3A_602 : vector<16xf32>
        %slice3A_604 = vector.extract_strided_slice %get3A_243 {offsets = [13], sizes = [1], strides = [1]} : vector<16xi32> to vector<1xi32>
        %squeeze3A_605 = vector.extract %slice3A_604[0] : i32 from vector<1xi32>
        %add3A_606 = arith.constant 23 : i32
        %add3A_607 = arith.addi %mul3A_237, %add3A_606 : i32
        %get3A_608 = arith.index_cast %add3A_607 : i32 to index
        %get3A_609 = arith.index_cast %squeeze3A_605 : i32 to index
        %get3A_610 = tpu.vector_load %arg10[%get3A_608, %get3A_609] {strides = array<i32>} : memref<832x128xf32, #tpu.memory_space<vmem>>, vector<16xf32>,
        %add3A_611 = arith.addf %add3A_595, %get3A_610 : vector<16xf32>
        %add3A_612 = arith.constant 23 : i32
        %add3A_613 = arith.addi %mul3A_237, %add3A_612 : i32
        %add3A_614 = arith.constant 16 : i32
        %add3A_615 = arith.addi %squeeze3A_605, %add3A_614 : i32
        %get3A_616 = arith.index_cast %add3A_613 : i32 to index
        %get3A_617 = arith.index_cast %add3A_615 : i32 to index
        %get3A_618 = tpu.vector_load %arg10[%get3A_616, %get3A_617] {strides = array<i32>} : memref<832x128xf32, #tpu.memory_space<vmem>>, vector<16xf32>,
        %add3A_619 = arith.addf %add3A_603, %get3A_618 : vector<16xf32>
        %slice3A_620 = vector.extract_strided_slice %get3A_243 {offsets = [14], sizes = [1], strides = [1]} : vector<16xi32> to vector<1xi32>
        %squeeze3A_621 = vector.extract %slice3A_620[0] : i32 from vector<1xi32>
        %add3A_622 = arith.constant 24 : i32
        %add3A_623 = arith.addi %mul3A_237, %add3A_622 : i32
        %get3A_624 = arith.index_cast %add3A_623 : i32 to index
        %get3A_625 = arith.index_cast %squeeze3A_621 : i32 to index
        %get3A_626 = tpu.vector_load %arg10[%get3A_624, %get3A_625] {strides = array<i32>} : memref<832x128xf32, #tpu.memory_space<vmem>>, vector<16xf32>,
        %add3A_627 = arith.addf %add3A_611, %get3A_626 : vector<16xf32>
        %add3A_628 = arith.constant 24 : i32
        %add3A_629 = arith.addi %mul3A_237, %add3A_628 : i32
        %add3A_630 = arith.constant 16 : i32
        %add3A_631 = arith.addi %squeeze3A_621, %add3A_630 : i32
        %get3A_632 = arith.index_cast %add3A_629 : i32 to index
        %get3A_633 = arith.index_cast %add3A_631 : i32 to index
        %get3A_634 = tpu.vector_load %arg10[%get3A_632, %get3A_633] {strides = array<i32>} : memref<832x128xf32, #tpu.memory_space<vmem>>, vector<16xf32>,
        %add3A_635 = arith.addf %add3A_619, %get3A_634 : vector<16xf32>
        %slice3A_636 = vector.extract_strided_slice %get3A_243 {offsets = [15], sizes = [1], strides = [1]} : vector<16xi32> to vector<1xi32>
        %squeeze3A_637 = vector.extract %slice3A_636[0] : i32 from vector<1xi32>
        %add3A_638 = arith.constant 25 : i32
        %add3A_639 = arith.addi %mul3A_237, %add3A_638 : i32
        %get3A_640 = arith.index_cast %add3A_639 : i32 to index
        %get3A_641 = arith.index_cast %squeeze3A_637 : i32 to index
        %get3A_642 = tpu.vector_load %arg10[%get3A_640, %get3A_641] {strides = array<i32>} : memref<832x128xf32, #tpu.memory_space<vmem>>, vector<16xf32>,
        %add3A_643 = arith.addf %add3A_627, %get3A_642 : vector<16xf32>
        %add3A_644 = arith.constant 25 : i32
        %add3A_645 = arith.addi %mul3A_237, %add3A_644 : i32
        %add3A_646 = arith.constant 16 : i32
        %add3A_647 = arith.addi %squeeze3A_637, %add3A_646 : i32
        %get3A_648 = arith.index_cast %add3A_645 : i32 to index
        %get3A_649 = arith.index_cast %add3A_647 : i32 to index
        %get3A_650 = tpu.vector_load %arg10[%get3A_648, %get3A_649] {strides = array<i32>} : memref<832x128xf32, #tpu.memory_space<vmem>>, vector<16xf32>,
        %add3A_651 = arith.addf %add3A_635, %get3A_650 : vector<16xf32>
        %swap3A = arith.index_cast %scan3A_235 : i32 to index
        %swap3A_652 = arith.constant 0 : index
        %swap3A_653 = tpu.vector_load %arg11[%swap3A, %swap3A_652] {strides = array<i32>} : memref<32x32xf32, #tpu.memory_space<vmem>>, vector<16xf32>,
        tpu.vector_store %arg11[%swap3A, %swap3A_652], %add3A_643 {strides = array<i32>} : memref<32x32xf32, #tpu.memory_space<vmem>>, vector<16xf32>,
        %swap3A_654 = arith.index_cast %scan3A_235 : i32 to index
        %swap3A_655 = arith.constant 16 : index
        %swap3A_656 = tpu.vector_load %arg11[%swap3A_654, %swap3A_655] {strides = array<i32>} : memref<32x32xf32, #tpu.memory_space<vmem>>, vector<16xf32>,
        tpu.vector_store %arg11[%swap3A_654, %swap3A_655], %add3A_651 {strides = array<i32>} : memref<32x32xf32, #tpu.memory_space<vmem>>, vector<16xf32>,
      }
      %scan3A_229 = arith.constant 32 : i32
      %mul3A_230 = arith.constant 16 : i32
      %mul3A_231 = arith.muli %add3A, %mul3A_230 : i32
      %add3A_232 = arith.addi %mul3A_231, %scan3A_6 : i32
      %mul3A_233 = arith.constant 32 : i32
      %mul3A_234 = arith.muli %add3A_232, %mul3A_233 : i32
      "tpu.region"() ({
        %run_scoped3A = tpu.sem_alloc : memref<!tpu.dma_semaphore, #tpu.memory_space<semaphore_mem>>
        %dma_start3A_235 = arith.constant 0 : i32
        %dma_start3A_236 = tpu.memref_slice %arg5[%mul3A_234, %dma_start3A_235] : memref<16384x32xf32, #tpu.memory_space<hbm>> -> memref<32x32xf32, #tpu.memory_space<hbm>>
        %dma_start3A_237 = arith.constant 0 : i32
        %dma_start3A_238 = tpu.memref_slice %arg5[%mul3A_234, %dma_start3A_237] : memref<16384x32xf32, #tpu.memory_space<hbm>> -> memref<32x32xf32, #tpu.memory_space<hbm>>
        tpu.enqueue_dma source(%arg11 : memref<32x32xf32, #tpu.memory_space<vmem>>) target(%dma_start3A_238 : memref<32x32xf32, #tpu.memory_space<hbm>>) target_semaphore(%run_scoped3A : memref<!tpu.dma_semaphore, #tpu.memory_space<semaphore_mem>>)
        %dma_wait3A_239 = arith.constant 0 : i32
        %dma_wait3A_240 = tpu.memref_slice %arg5[%mul3A_234, %dma_wait3A_239] : memref<16384x32xf32, #tpu.memory_space<hbm>> -> memref<32x32xf32, #tpu.memory_space<hbm>>
        %dma_wait3A_241 = arith.constant 0 : i32
        %dma_wait3A_242 = tpu.memref_slice %arg5[%mul3A_234, %dma_wait3A_241] : memref<16384x32xf32, #tpu.memory_space<hbm>> -> memref<32x32xf32, #tpu.memory_space<hbm>>
        tpu.wait_dma2 semaphore(%run_scoped3A : memref<!tpu.dma_semaphore, #tpu.memory_space<semaphore_mem>>) src(%arg11 : memref<32x32xf32, #tpu.memory_space<vmem>>) dst(%dma_wait3A_242 : memref<32x32xf32, #tpu.memory_space<hbm>>)
        tpu.yield
      }) : () -> ()
    }
    %scan3A_5 = arith.constant 16 : i32
    return
  }
}

</mosaic_0001>

<sc_bundles>
// kernel: kernel.3.cloned.1.call-start
scs
__scs_entry_jumppad:
0x0: {  	(pc) =	sbr.rel $0x88, $3  }
0x1: {  	(tag) =	ssettag $0x0;
	lr =	simm.s32 $0x1  }
0x2: {  	[smem:$0x3F9E] =	sst lr;
	_ =	strace $0xD0000000  }
0x3: {  	_ = 	snop  }
0x4: {  	_ = 	snop  }
0x5: {  	_ = 	snop  }
0x6: {  	_ = 	snop  }
0x7: {  	_ = 	snop  }
__scs_overlays_trampoline_lowered:
0x8: {  	[smem:$0x3FAD] =	sst s0  }
0x9: {  	[smem:$0x3FAE] =	sst s1  }
0xa: {  	[smem:$0x3FAF] =	sst s2  }
0xb: {  	[smem:$0x3FB0] =	sst s3  }
0xc: {  	[smem:$0x3FB1] =	sst s4  }
0xd: {  	[smem:$0x3FB2] =	sst s5  }
0xe: {  	[smem:$0x3FB3] =	sst s6  }
0xf: {  	[smem:$0x3FB4] =	sst s7  }
0x10: {  	[smem:$0x3FB5] =	sst s8  }
0x11: {  	[smem:$0x3FB6] =	sst s9;
	s0 =	simm.s32 @!p0 $0x0  }
0x12: {  	s1 =	sld [smem:$0x3F9C];
	s0 =	simm.s32 @p0 $0x1  }
0x13: {  	[smem:$0x3FB7] =	sst s0;
	s0 =	simm.s32 @!p1 $0x0  }
0x14: {  	s2 =	sld [smem:$0x3F9B];
	s0 =	simm.s32 @p1 $0x1  }
0x15: {  	[smem:$0x3FB8] =	sst s0;
	s0 =	simm.s32 @!p2 $0x0  }
0x16: {  	s3 =	sld [smem:$0x3FDB];
	s0 =	simm.s32 @p2 $0x1  }
0x17: {  	s4 =	simm.s32 $0x1BF5;
	[smem:$0x3FBA] =	sst s0  }
0x18: {  	s0 =	sld [smem:$0x3F9D];
	_ =	swait.ge [sflag:s4], $0x0  }
0x19: {  	s7 =	sld [smem:$0x3F9E]  }
0x1a: {  	s8 =	sadd.s32 $0xFFFFE003, lr  }
0x1b: {  	s9 =	sadd.s32 $0xFFFFFEF7, lr;
	s5 =	simm.s32 $0xFFFFFFFF;
	p2 =	slt.u32 s8, $0xFFFFF086  }
0x1c: {  	p1 =	slt.u32 s9, $0xF7A;
	s5 =	simm.s32 @!p2 $0x0  }
0x1d: {  	s5 =	simm.s32 @p1 $0x1;
	p0 =	seq.s32 s7, s2  }
0x1e: {  	s7 =	smul.u32 @!p0 $0xF7A, s2;
	p2 =	seq.s32 @!p0 s5, $0x0  }
0x1f: {  	s9 =	smul.u32 $0xF7A, s1;
	s8 =	simm.s32 @!p0 $0x1BF5;
	p2 =	por !p2, p0  }
0x20: {  	[sflag:s8] =	ssyncset.s32 @!p0 $0xFFFFF086;
	s6 =	sadd.s32 @!p0 s3, s7;
	s7 =	simm.s32 @!p0 $0x108  }
0x21: {  	s3 =	sadd.s32 s3, s9;
	s6 =	sadd.s32 @!p0 $0x88, s6;
	s7 =	simm.s32 @p2 $0x1082  }
0x22: {  	[simem:s7], [sflag:s8] =	dma.local @!p0 [hbm:s6], $0xF7A  }
0x23: {  	s9 =	sor.u32 $0xD0000000, s2;
	s6 =	simm.s32 $0x108;
	_ =	swait.ge @!p0 [sflag:s8], $0x0  }
0x24: {  	s3 =	sadd.s32 $0x88, s3;
	s6 =	simm.s32 @!p1 $0x1082;
	[sflag:s4] =	ssyncset.s32 $0xFFFFF086  }
0x25: {  	[simem:s6], [sflag:s4] =	dma.local [hbm:s3], $0xF7A  }
0x26: {  	[smem:$0x3F9E] =	sst s1;
	(tag) =	ssettag s2;
	_ =	strace s9  }
0x27: {  	s1 =	sld [smem:$0x3FAE]  }
0x28: {  	s2 =	sld [smem:$0x3FAF]  }
0x29: {  	s4 =	sld [smem:$0x3FB1]  }
0x2a: {  	p0 =	seq.s32 s5, $0x0;
	s5 =	sld [smem:$0x3FB2]  }
0x2b: {  	s6 =	sld [smem:$0x3FB3]  }
0x2c: {  	s7 =	sld [smem:$0x3FB4]  }
0x2d: {  	s3 =	simm.s32 $0x108;
	s8 =	sld [smem:$0x3FB5]  }
0x2e: {  	s3 =	simm.s32 @!p0 $0x1082;
	s9 =	sld [smem:$0x3FB6]  }
0x2f: {  	lr =	sadd.s32 s0, s3;
	s0 =	sld [smem:$0x3FAD]  }
0x30: {  	s3 =	sld [smem:$0x3FB0]  }
0x31: {  	[smem:$0x3FB9] =	sst s10  }
0x32: {  	s10 =	sld [smem:$0x3FB7];
	_ =	sdelay $0x3  }
0x33: {  	p0 =	seq.s32 s10, $0x1;
	s10 =	sld [smem:$0x3FB9];
	_ =	sdelay $0x3  }
0x34: {  	[smem:$0x3FB9] =	sst s10  }
0x35: {  	s10 =	sld [smem:$0x3FB8];
	_ =	sdelay $0x3  }
0x36: {  	p1 =	seq.s32 s10, $0x1;
	s10 =	sld [smem:$0x3FB9];
	_ =	sdelay $0x3  }
0x37: {  	[smem:$0x3FB9] =	sst s10  }
0x38: {  	s10 =	sld [smem:$0x3FBA]  }
0x39: {  	_ = 	snop;
	(pc) =	sbr.ind lr, $3  }
0x3a: {  	_ = 	snop  }
0x3b: {  	_ = 	snop  }
0x3c: {  	p2 =	seq.s32 s10, $0x1;
	s10 =	sld [smem:$0x3FB9]  }
0x3d: {  	_ =	shalt  }
0x3e: {  	_ =	shalt  }
0x3f: {  	_ =	shalt  }
0x40: {  	_ =	shalt  }
0x41: {  	_ =	shalt  }
0x42: {  	_ =	shalt  }
0x43: {  	_ =	shalt  }
0x44: {  	_ =	shalt  }
0x45: {  	_ =	shalt  }
0x46: {  	_ =	shalt  }
0x47: {  	_ =	shalt  }
0x48: {  	_ =	shalt  }
0x49: {  	_ =	shalt  }
0x4a: {  	_ =	shalt  }
0x4b: {  	_ =	shalt  }
0x4c: {  	_ =	shalt  }
0x4d: {  	_ =	shalt  }
0x4e: {  	_ =	shalt  }
0x4f: {  	_ =	shalt  }
0x50: {  	_ =	shalt  }
0x51: {  	_ =	shalt  }
0x52: {  	_ =	shalt  }
0x53: {  	_ =	shalt  }
0x54: {  	_ =	shalt  }
0x55: {  	_ =	shalt  }
0x56: {  	_ =	shalt  }
0x57: {  	_ =	shalt  }
0x58: {  	_ =	shalt  }
0x59: {  	_ =	shalt  }
0x5a: {  	_ =	shalt  }
0x5b: {  	_ =	shalt  }
0x5c: {  	_ =	shalt  }
0x5d: {  	_ =	shalt  }
0x5e: {  	_ =	shalt  }
0x5f: {  	_ =	shalt  }
0x60: {  	_ =	shalt  }
0x61: {  	_ =	shalt  }
0x62: {  	_ =	shalt  }
0x63: {  	_ =	shalt  }
0x64: {  	_ =	shalt  }
0x65: {  	_ =	shalt  }
0x66: {  	_ =	shalt  }
0x67: {  	_ =	shalt  }
0x68: {  	_ =	shalt  }
0x69: {  	_ =	shalt  }
0x6a: {  	_ =	shalt  }
0x6b: {  	_ =	shalt  }
0x6c: {  	_ =	shalt  }
0x6d: {  	_ =	shalt  }
0x6e: {  	_ =	shalt  }
0x6f: {  	_ =	shalt  }
0x70: {  	_ =	shalt  }
0x71: {  	_ =	shalt  }
0x72: {  	_ =	shalt  }
0x73: {  	_ =	shalt  }
0x74: {  	_ =	shalt  }
0x75: {  	_ =	shalt  }
0x76: {  	_ =	shalt  }
0x77: {  	_ =	shalt  }
0x78: {  	_ =	shalt  }
0x79: {  	_ =	shalt  }
0x7a: {  	_ =	shalt  }
0x7b: {  	_ =	shalt  }
0x7c: {  	_ =	shalt  }
0x7d: {  	_ =	shalt  }
0x7e: {  	_ =	shalt  }
0x7f: {  	_ =	shalt  }
0x80: {  	_ =	shalt  }
0x81: {  	_ =	shalt  }
0x82: {  	_ =	shalt  }
0x83: {  	_ =	shalt  }
0x84: {  	_ =	shalt  }
0x85: {  	_ =	shalt  }
0x86: {  	_ =	shalt  }
0x87: {  	_ =	shalt  }
.Lfunc_end0:
.L_simem_size_0:
called_computation.2_lowered:
.L_overlay_start_0:
0x88: {  	s2 =	sld [smem:$0x3FD9]  }
0x89: {  	s3 =	sld [smem:$0x3FFE];
	_ =	sdelay $0x1  }
0x8a: {  	s1 =	srdreg.scid  }
0x8b: {  	s0 =	sand.u32 $0x1, s1  }
0x8c: {  	s17 =	sshll.u32 s0, $0xA;
	s2 =	sadd.s32 s3, s2  }
0x8d: {  	s2 =	sadd.s32 s2, s17  }
0x8e: {  	[smem:$0x3FC5] =	sst s2  }
0x8f: {  	_ = 	snop  }
0x90: {  	s2 =	sld [smem:$0x3FD0];
	(tm) =	ssettm $0x1  }
0x91: {  	s18 =	sld [smem:$0x3FFB];
	_ =	sdelay $0x3  }
0x92: {  	_ =	strace s18  }
0x93: {  	s3 =	sld [smem:$0x3FFC];
	_ =	sdelay $0x3  }
0x94: {  	_ =	strace s3  }
0x95: {  	s3 =	sld [smem:$0x3FFD];
	_ =	sdelay $0x3  }
0x96: {  	_ =	strace s3  }
0x97: {  	_ =	strace $0x8FFFFFFF  }
0x98: {  	s19 =	sld [smem:$0x3FDB];
	_ =	sdelay $0x1  }
0x99: {  	s4 =	simm.s32 $_scs_section_size  }
0x9a: {  	s5 =	simm.s32 $_size__tile_overlayer_lowered;
	s6 =	simm.s32 $_tile_overlayer_lowered  }
0x9b: {  	s22 =	simm.s32 $0x1BFF;
	s21 =	sshll.u32 s6, $0x1;
	s3 =	sadd.s32 s4, s19  }
0x9c: {  	s7 =	simm.s32 $0x0;
	s20 =	sshll.u32 s5, $0x1;
	s5 =	sadd.s32 s21, s3  }
0x9d: {  	[timem:s7], [sflag:s22] =	dma.local [hbm:s5], s20  }
0x9e: {  	_ =	swait.ge [sflag:s22], s20  }
0x9f: {  	s4 =	ssub.s32 $0x0, s20;
	[sflag:s22] =	ssyncset.done $0x0  }
0xa0: {  	[sflag:s22] =	ssyncadd.s32 s4;
	_ =	sdelay $0x1  }
0xa1: {  	s23 =	simm.s32 $0x1B8B  }
0xa2: {  	_ =	swait.ge [sflag:s23], $0x1  }
0xa3: {  	[sflag:s23] =	ssyncset.done $0x0  }
0xa4: {  	s25 =	simm.s32 $0x1B8E;
	s24 =	sld [smem:$0x3FFE];
	[sflag:s23] =	ssyncadd.s32 $0xFFFFFFFF  }
0xa5: {  	s26 =	simm.s32 $execute0_lowered;
	[smem:$0x3FD2] =	sst s25  }
0xa6: {  	s5 =	sshll.u32 s26, $0x1;
	_ =	strace $0x8000004C;
	[dreg:$0x1] =	wrdreg $0xFFFFFFFF  }
0xa7: {  	s28 =	simm.s32 $_size_execute0_lowered;
	s3 =	sadd.s32 s3, s5;
	[dreg:$0x0] =	wrdreg $0x0  }
0xa8: {  	s5 =	sshll.u32 s28, $0x1;
	[dreg:$0x2] =	wrdreg s3  }
0xa9: {  	[dreg:$0x3] =	wrdreg s5  }
0xaa: {  	[dreg:$0x4] =	wrdreg $0xC0  }
0xab: {  	_ =	task [dreg:s7], $0x5FFFF  }
0xac: {  	[dreg:$0x1] =	wrdreg $0xFFFFFFFF  }
0xad: {  	[dreg:$0x0] =	wrdreg $0x60  }
0xae: {  	[dreg:$0x2] =	wrdreg s2  }
0xaf: {  	[dreg:$0x3] =	wrdreg s24  }
0xb0: {  	[dreg:$0x4] =	wrdreg $0x9  }
0xb1: {  	_ =	task.clear_ibuf [dreg:s7], $0x5FFFF;
	_ =	strace $0x9000004C  }
0xb2: {  	s29 =	simm.s32 $0x9;
	_ =	strace $0x8000004E  }
0xb3: {  	_ =	swait.ge [sflag:s29], $0x1  }
0xb4: {  	[sflag:s29] =	ssyncadd.s32 $0xFFFFFFFF  }
0xb5: {  	_ =	strace $0x9000004E  }
0xb6: {  	_ =	sfence  }
0xb7: {  	s30 =	sld [smem:$0x0];
	_ =	sdelay $0x2  }
0xb8: {  	s31 =	sshll.u32 s1, $0xD;
	s1 =	sshrl.u32 s1, $0x2  }
0xb9: {  	s3 =	sand.u32 $0x4000, s31;
	s1 =	sadd.s32 s1, s30  }
0xba: {  	s0 =	sor.u32 s3, s0;
	s1 =	sshll.u32 s1, $0x11  }
0xbb: {  	s0 =	sor.u32 s1, s0  }
0xbc: {  	s0 =	sadd.s32 $0x8F2B, s0  }
0xbd: {  	[sflag:s0] =	ssyncadd.remote.s32 $0x1  }
0xbe: {  	_ =	sfence.sel $0xFFFF  }
0xbf: {  	[dreg:$0x0] =	wrdreg $0xFFFFFFFF;
	(pc) =	sbr.abs _section_cstart, $3  }
0xc0: {  	[dreg:$0x1] =	wrdreg $0xFFFFFFFF  }
0xc1: {  	_ =	task.clear_ibuf [dreg:s7], $0x2FFFF;
	_ =	strace $0x9FFFFFFF  }
0xc2: {  	(tm) =	ssettm $0x7FFFFFFF  }
0xc3: {  	_ =	shalt  }
tec
execute0_lowered:
.L_overlay_start_1:
0x0: {  	(tag) =	ssettag $0x1  }
0x1: {  	s0 =	rddreg [dreg:$0x1]  }
0x2: {  	s1 =	simm.s32 $0x0;
	s28 =	srdreg.scid;
	s4 =	stileid.u32  }
0x3: {  	[smem:$0x7FF] =	sst s1;
	s2 =	sadd.s32 $0x1000, s0;
	s1 =	sand.u32 $0x1, s28  }
0x4: {  	s29 =	sadd.s32 $0x3198C00, s0;
	s4 =	sshll.u32 s4, $0x5;
	s0 =	sadd.s32 $0x9EC200, s0  }
0x5: {  	_ =	strace $0x8000004D;
	[dreg:$0x3] =	wrdreg s2;
	s30 =	ssub.s32 $0x2, s1  }
0x6: {  	[dreg:$0x4] =	wrdreg s29;
	s1 =	sshll.u32 s1, $0x4;
	s3 =	sshrl.u32 s30, $0x1  }
0x7: {  	[dreg:$0x5] =	wrdreg s0;
	s1 =	sor.u32 s1, s4;
	s31 =	ssub.s32 s30, s3  }
0x8: {  	[dreg:$0x6] =	wrdreg s1;
	s0 =	smax.u32 s31, $0x1  }
0x9: {  	s3 =	simm.s32 $0x2;
	s1 =	simm.s32 $0x0;
	[dreg:$0x7] =	wrdreg s0  }
.LBB2_1:
0xa: {  	[dreg:$0x8] =	wrdreg s1  }
0xb: {  	s0 =	simm.s32 $0x0;
	s31 =	rddreg [dreg:$0x4];
	s2 =	simm.s32 $0x380  }
0xc: {  	[tilespmem:s2], [sflag:$0x2] =	stream.linear.gather [hbm4b:s31+s0], $0x380, $0x38;
	[tilespmem:$0x1BE00] =	vst v63  }
0xd: {  	_ =	swait.ge [sflag:s3], $0x380  }
0xe: {  	[sflag:s3] =	ssyncset.done $0x0  }
0xf: {  	s1 =	simm.s32 $0x0;
	[sflag:s3] =	ssyncadd.s32 $0xFFFFFC80  }
.LBB2_2:
0x10: {  	s0 =	rddreg [dreg:$0x6]  }
0x11: {  	s0 =	sadd.s32 s0, s1  }
0x12: {  	[dreg:$0xa] =	wrdreg s0;
	s0 =	smul.u32 $0x68, s0  }
0x13: {  	s30 =	rddreg [dreg:$0x0]  }
0x14: {  	[dreg:$0x9] =	wrdreg s1;
	s31 =	simm.s32 $0x0;
	s0 =	sadd.s32 s30, s0  }
0x15: {  	[tilespmem:s31], [sflag:$0x2] =	stream.linear.gather [hbm4b:s0+s31], $0x340, $0x38;
	[tilespmem:$0x1BE00] =	vst v63  }
0x16: {  	_ =	swait.ge [sflag:s3], $0x340  }
0x17: {  	[sflag:s3] =	ssyncset.done $0x0  }
0x18: {  	s0 =	simm.s32 $0x0;
	[sflag:s3] =	ssyncadd.s32 $0xFFFFFCC0  }
0x19: {  	v0 =	vld [tilespmem:s0+$0x0]  }
0x1a: {  	v1 =	vld [tilespmem:s0+$0x380];
	_ =	sdelay $0x1  }
0x1b: {  	s1 =	simm.s32 $0x40  }
.LBB2_3:
0x1c: {  	p0 =	sne.s32 s1, $0xCC0  }
.Ltmp0:
0x1d: {  	s2 =	sshra.s32 s1, $0x2;
	(pc) =	sbr.rel @p0 .LBB2_3-.Ltmp0, $4  }
0x1e: {  	s1 =	sadd.s32 $0x40, s1;
	v2 =	vadd.s32 v0, v1;
	v0 =	vld [tilespmem:s2+$0x0]  }
0x1f: {  	v1 =	vld [tilespmem:s2+$0x380];
	v3 =	vshra.s32 v2, $0x2;
	v2 =	vshll.u32 v2, $0x5  }
0x20: {  	[tilespmem:s0+$0x700] =	vst v3;
	v2 =	vand.u32 $0x60, v2  }
0x21: {  	[tilespmem:s0+$0xA80] =	vst v2;
	s0 =	smov.u32 s2  }
0x22: {  	_ =	sdelay $0x1  }
0x23: {  	v0 =	vadd.s32 v0, v1  }
0x24: {  	v1 =	vshra.s32 v0, $0x2;
	v0 =	vshll.u32 v0, $0x5  }
0x25: {  	s5 =	rddreg [dreg:$0x3];
	[tilespmem:s0+$0x700] =	vst v1;
	v0 =	vand.u32 $0x60, v0  }
0x26: {  	s1 =	simm.s32 $0x40;
	s2 =	simm.s32 $0x700;
	s3 =	simm.s32 $0xE00;
	[tilespmem:s0+$0xA80] =	vst v0  }
0x27: {  	[tilespmem:s3], [sflag:$0x1] =	stream.indirect.gather [hbm4b:s5+s1], $0x80, s2, s1, $0xb8;
	[tilespmem:$0x1BE00] =	vst v63  }
0x28: {  	s6 =	simm.s32 $0x740;
	s7 =	simm.s32 $0x2E00  }
0x29: {  	[tilespmem:s7], [sflag:$0x1] =	stream.indirect.gather [hbm4b:s5+s1], $0x80, s6, s1, $0xb8;
	[tilespmem:$0x1BE00] =	vst v63  }
0x2a: {  	s8 =	simm.s32 $0x780;
	s9 =	simm.s32 $0x4E00  }
0x2b: {  	[tilespmem:s9], [sflag:$0x1] =	stream.indirect.gather [hbm4b:s5+s1], $0x80, s8, s1, $0xb8;
	[tilespmem:$0x1BE00] =	vst v63  }
0x2c: {  	s10 =	simm.s32 $0x7C0;
	s11 =	simm.s32 $0x6E00  }
0x2d: {  	[tilespmem:s11], [sflag:$0x1] =	stream.indirect.gather [hbm4b:s5+s1], $0x80, s10, s1, $0xb8;
	[tilespmem:$0x1BE00] =	vst v63  }
0x2e: {  	s12 =	simm.s32 $0x800;
	s13 =	simm.s32 $0x8E00  }
0x2f: {  	[tilespmem:s13], [sflag:$0x1] =	stream.indirect.gather [hbm4b:s5+s1], $0x80, s12, s1, $0xb8;
	[tilespmem:$0x1BE00] =	vst v63  }
0x30: {  	s14 =	simm.s32 $0x840;
	s15 =	simm.s32 $0xAE00  }
0x31: {  	[tilespmem:s15], [sflag:$0x1] =	stream.indirect.gather [hbm4b:s5+s1], $0x80, s14, s1, $0xb8;
	[tilespmem:$0x1BE00] =	vst v63  }
0x32: {  	s16 =	simm.s32 $0x880;
	s17 =	simm.s32 $0xCE00  }
0x33: {  	[tilespmem:s17], [sflag:$0x1] =	stream.indirect.gather [hbm4b:s5+s1], $0x80, s16, s1, $0xb8;
	[tilespmem:$0x1BE00] =	vst v63  }
0x34: {  	s18 =	simm.s32 $0x8C0;
	s19 =	simm.s32 $0xEE00  }
0x35: {  	[tilespmem:s19], [sflag:$0x1] =	stream.indirect.gather [hbm4b:s5+s1], $0x80, s18, s1, $0xb8;
	[tilespmem:$0x1BE00] =	vst v63  }
0x36: {  	s20 =	simm.s32 $0x900;
	s21 =	simm.s32 $0x10E00  }
0x37: {  	[tilespmem:s21], [sflag:$0x1] =	stream.indirect.gather [hbm4b:s5+s1], $0x80, s20, s1, $0xb8;
	[tilespmem:$0x1BE00] =	vst v63  }
0x38: {  	s22 =	simm.s32 $0x940;
	s23 =	simm.s32 $0x12E00  }
0x39: {  	[tilespmem:s23], [sflag:$0x1] =	stream.indirect.gather [hbm4b:s5+s1], $0x80, s22, s1, $0xb8;
	[tilespmem:$0x1BE00] =	vst v63  }
0x3a: {  	s24 =	simm.s32 $0x980;
	s25 =	simm.s32 $0x14E00  }
0x3b: {  	[tilespmem:s25], [sflag:$0x1] =	stream.indirect.gather [hbm4b:s5+s1], $0x80, s24, s1, $0xb8;
	[tilespmem:$0x1BE00] =	vst v63  }
0x3c: {  	s26 =	simm.s32 $0x9C0;
	s28 =	simm.s32 $0x16E00  }
0x3d: {  	[tilespmem:s28], [sflag:$0x1] =	stream.indirect.gather [hbm4b:s5+s1], $0x80, s26, s1, $0xb8;
	[tilespmem:$0x1BE00] =	vst v63  }
0x3e: {  	s29 =	simm.s32 $0xA00;
	s30 =	simm.s32 $0x18E00;
	s31 =	simm.s32 $0x1  }
0x3f: {  	[tilespmem:s30], [sflag:$0x1] =	stream.indirect.gather [hbm4b:s5+s1], $0x80, s29, s1, $0xb8;
	[tilespmem:$0x1BE00] =	vst v63  }
0x40: {  	_ =	swait.ge [sflag:s31], $0x2000  }
0x41: {  	[sflag:s31] =	ssyncset.done $0x0  }
0x42: {  	[sflag:s31] =	ssyncadd.s32 $0xFFFFE000  }
0x43: {  	_ =	swait.ge [sflag:s31], $0x2000  }
0x44: {  	[sflag:s31] =	ssyncset.done $0x0  }
0x45: {  	[sflag:s31] =	ssyncadd.s32 $0xFFFFE000  }
0x46: {  	_ =	swait.ge [sflag:s31], $0x2000  }
0x47: {  	[sflag:s31] =	ssyncset.done $0x0  }
0x48: {  	[sflag:s31] =	ssyncadd.s32 $0xFFFFE000  }
0x49: {  	_ =	swait.ge [sflag:s31], $0x2000  }
0x4a: {  	[sflag:s31] =	ssyncset.done $0x0  }
0x4b: {  	[sflag:s31] =	ssyncadd.s32 $0xFFFFE000  }
0x4c: {  	_ =	swait.ge [sflag:s31], $0x2000  }
0x4d: {  	[sflag:s31] =	ssyncset.done $0x0  }
0x4e: {  	[sflag:s31] =	ssyncadd.s32 $0xFFFFE000  }
0x4f: {  	_ =	swait.ge [sflag:s31], $0x2000  }
0x50: {  	[sflag:s31] =	ssyncset.done $0x0  }
0x51: {  	[sflag:s31] =	ssyncadd.s32 $0xFFFFE000  }
0x52: {  	_ =	swait.ge [sflag:s31], $0x2000  }
0x53: {  	[sflag:s31] =	ssyncset.done $0x0  }
0x54: {  	[sflag:s31] =	ssyncadd.s32 $0xFFFFE000  }
0x55: {  	_ =	swait.ge [sflag:s31], $0x2000  }
0x56: {  	[sflag:s31] =	ssyncset.done $0x0  }
0x57: {  	[sflag:s31] =	ssyncadd.s32 $0xFFFFE000  }
0x58: {  	_ =	swait.ge [sflag:s31], $0x2000  }
0x59: {  	[sflag:s31] =	ssyncset.done $0x0  }
0x5a: {  	[sflag:s31] =	ssyncadd.s32 $0xFFFFE000  }
0x5b: {  	_ =	swait.ge [sflag:s31], $0x2000  }
0x5c: {  	[sflag:s31] =	ssyncset.done $0x0  }
0x5d: {  	[sflag:s31] =	ssyncadd.s32 $0xFFFFE000  }
0x5e: {  	_ =	swait.ge [sflag:s31], $0x2000  }
0x5f: {  	[sflag:s31] =	ssyncset.done $0x0  }
0x60: {  	[sflag:s31] =	ssyncadd.s32 $0xFFFFE000  }
0x61: {  	_ =	swait.ge [sflag:s31], $0x2000  }
0x62: {  	[sflag:s31] =	ssyncset.done $0x0  }
0x63: {  	[sflag:s31] =	ssyncadd.s32 $0xFFFFE000  }
0x64: {  	_ =	swait.ge [sflag:s31], $0x2000  }
0x65: {  	s17 =	simm.s32 $0x1AE10;
	[sflag:s31] =	ssyncset.done $0x0  }
0x66: {  	s18 =	simm.s32 $0xA8A;
	s25 =	simm.s32 $0x0;
	[sflag:s31] =	ssyncadd.s32 $0xFFFFE000  }
.LBB2_5:
0x67: {  	v1 =	vld [tilespmem:s18+$0xFFFFFFF6];
	_ =	sdelay $0x4  }
0x68: {  	(v2sf) =	vpush v1, $0x0;
	_ =	sdelay $0x1  }
0x69: {  	(v2sf) =	vpush v1, $0x1;
	_ =	sdelay $0x2  }
0x6a: {  	(v2sf) =	vpush v1, $0x2;
	_ =	sdelay $0x1  }
0x6b: {  	(v2sf) =	vpush v1, $0x3;
	_ =	sdelay $0x2  }
0x6c: {  	(v2sf) =	vpush v1, $0x4;
	_ =	sdelay $0x4  }
0x6d: {  	s0 =	spop (v2sf)  }
0x6e: {  	s1 =	sand.u32 $0x7F, s0  }
0x6f: {  	s3 =	sshll.u32 s0, $0x2;
	s0 =	sadd.s32 $0x10, s0;
	s31 =	spop (v2sf)  }
0x70: {  	s3 =	sand.u32 $0xFFFFFE00, s3;
	s1 =	sshll.u32 s1, $0x2;
	s30 =	sand.u32 $0x7F, s0  }
0x71: {  	s0 =	sshll.u32 s0, $0x2;
	s2 =	sand.u32 $0x7F, s31;
	s4 =	sshll.u32 s31, $0x2  }
0x72: {  	s7 =	spop (v2sf);
	s26 =	sor.u32 s1, s3;
	s0 =	sand.u32 $0xFFFFFE00, s0  }
0x73: {  	s1 =	sshll.u32 s30, $0x2;
	s3 =	sadd.s32 $0x10, s31;
	s8 =	sand.u32 $0x7F, s7  }
0x74: {  	(v2sf) =	vpush v1, $0x5;
	s9 =	sshll.u32 s7, $0x2;
	s12 =	spop (v2sf);
	s19 =	sor.u32 s1, s0  }
0x75: {  	s1 =	sand.u32 $0xFFFFFE00, s4;
	s0 =	sshll.u32 s2, $0x2;
	s5 =	sand.u32 $0x7F, s3  }
0x76: {  	(v2sf) =	vpush v1, $0x6;
	s6 =	sshll.u32 s3, $0x2;
	s3 =	sadd.s32 $0x10, s7;
	s13 =	sand.u32 $0x7F, s12  }
0x77: {  	s14 =	sshll.u32 s12, $0x2;
	s20 =	spop (v2sf);
	s28 =	sor.u32 s0, s1  }
0x78: {  	s1 =	sand.u32 $0xFFFFFE00, s6;
	s0 =	sshll.u32 s5, $0x2;
	s10 =	sand.u32 $0x7F, s3  }
0x79: {  	(v2sf) =	vpush v1, $0x7;
	s11 =	sshll.u32 s3, $0x2;
	s3 =	sadd.s32 $0x10, s12;
	s0 =	sor.u32 s0, s1  }
0x7a: {  	s1 =	sand.u32 $0xFFFFFE00, s9;
	[dreg:$0xb] =	wrdreg s0;
	s0 =	sshll.u32 s8, $0x2  }
0x7b: {  	s29 =	sor.u32 s0, s1;
	s1 =	sand.u32 $0xFFFFFE00, s11;
	s0 =	sshll.u32 s10, $0x2  }
0x7c: {  	s21 =	sand.u32 $0x7F, s20;
	s15 =	sand.u32 $0x7F, s3;
	s0 =	sor.u32 s0, s1  }
0x7d: {  	s1 =	sand.u32 $0xFFFFFE00, s14;
	[dreg:$0xc] =	wrdreg s0;
	s0 =	sshll.u32 s13, $0x2  }
0x7e: {  	(v2sf) =	vpush v1, $0x8;
	s16 =	sshll.u32 s3, $0x2;
	s3 =	sadd.s32 $0x10, s20;
	s0 =	sor.u32 s0, s1  }
0x7f: {  	s1 =	sand.u32 $0xFFFFFE00, s16;
	[dreg:$0xe] =	wrdreg s0;
	s0 =	sshll.u32 s15, $0x2  }
0x80: {  	s22 =	sshll.u32 s20, $0x2;
	s24 =	sshll.u32 s3, $0x2;
	s0 =	sor.u32 s0, s1  }
0x81: {  	s1 =	sand.u32 $0xFFFFFE00, s22;
	[dreg:$0xd] =	wrdreg s0;
	s0 =	sshll.u32 s21, $0x2  }
0x82: {  	s23 =	sand.u32 $0x7F, s3;
	s0 =	sor.u32 s0, s1;
	s1 =	sand.u32 $0xFFFFFE00, s24  }
0x83: {  	[dreg:$0xf] =	wrdreg s0;
	s0 =	sshll.u32 s23, $0x2;
	s30 =	spop (v2sf)  }
0x84: {  	s0 =	sor.u32 s0, s1;
	s31 =	sand.u32 $0x7F, s30  }
0x85: {  	s2 =	sshll.u32 s30, $0x2;
	s3 =	sadd.s32 $0x10, s30;
	s6 =	spop (v2sf)  }
0x86: {  	[dreg:$0x10] =	wrdreg s0;
	s1 =	sand.u32 $0xFFFFFE00, s2;
	s0 =	sshll.u32 s31, $0x2  }
0x87: {  	(v2sf) =	vpush v1, $0x9;
	s4 =	sand.u32 $0x7F, s3;
	s5 =	sshll.u32 s3, $0x2;
	s7 =	sand.u32 $0x7F, s6  }
0x88: {  	s8 =	sshll.u32 s6, $0x2;
	s3 =	sadd.s32 $0x10, s6;
	s11 =	spop (v2sf)  }
0x89: {  	(v2sf) =	vpush v1, $0xA;
	s0 =	sor.u32 s0, s1;
	s1 =	sand.u32 $0xFFFFFE00, s5;
	s9 =	sand.u32 $0x7F, s3  }
0x8a: {  	s10 =	sshll.u32 s3, $0x2;
	[dreg:$0x11] =	wrdreg s0;
	s0 =	sshll.u32 s4, $0x2  }
0x8b: {  	(v2sf) =	vpush v1, $0xB;
	s12 =	sand.u32 $0x7F, s11;
	s13 =	sshll.u32 s11, $0x2;
	s0 =	sor.u32 s0, s1  }
0x8c: {  	s1 =	sand.u32 $0xFFFFFE00, s8;
	[dreg:$0x12] =	wrdreg s0;
	s0 =	sshll.u32 s7, $0x2  }
0x8d: {  	s3 =	sadd.s32 $0x10, s11;
	s16 =	spop (v2sf);
	s0 =	sor.u32 s0, s1  }
0x8e: {  	(v2sf) =	vpush v1, $0xC;
	s1 =	sand.u32 $0xFFFFFE00, s10;
	[dreg:$0x14] =	wrdreg s0;
	s0 =	sshll.u32 s9, $0x2  }
0x8f: {  	s14 =	sand.u32 $0x7F, s3;
	s15 =	sshll.u32 s3, $0x2;
	s0 =	sor.u32 s0, s1  }
0x90: {  	s1 =	sand.u32 $0xFFFFFE00, s13;
	[dreg:$0x13] =	wrdreg s0;
	s0 =	sshll.u32 s12, $0x2  }
0x91: {  	s20 =	sand.u32 $0x7F, s16;
	s3 =	sadd.s32 $0x10, s16;
	s0 =	sor.u32 s0, s1  }
0x92: {  	s1 =	sand.u32 $0xFFFFFE00, s15;
	[dreg:$0x15] =	wrdreg s0;
	s0 =	sshll.u32 s14, $0x2  }
0x93: {  	s21 =	sshll.u32 s16, $0x2;
	s23 =	sshll.u32 s3, $0x2;
	s0 =	sor.u32 s0, s1  }
0x94: {  	s1 =	sand.u32 $0xFFFFFE00, s21;
	[dreg:$0x17] =	wrdreg s0;
	s0 =	sshll.u32 s20, $0x2  }
0x95: {  	s22 =	sand.u32 $0x7F, s3;
	s0 =	sor.u32 s0, s1;
	s1 =	sand.u32 $0xFFFFFE00, s23  }
0x96: {  	s24 =	spop (v2sf);
	[dreg:$0x16] =	wrdreg s0;
	s0 =	sshll.u32 s22, $0x2  }
0x97: {  	s30 =	sand.u32 $0x7F, s24;
	s31 =	sshll.u32 s24, $0x2;
	s3 =	sadd.s32 $0x10, s24  }
0x98: {  	s5 =	spop (v2sf);
	s0 =	sor.u32 s0, s1;
	s1 =	sand.u32 $0xFFFFFE00, s31  }
0x99: {  	s2 =	sand.u32 $0x7F, s3;
	s4 =	sshll.u32 s3, $0x2;
	s6 =	sand.u32 $0x7F, s5  }
0x9a: {  	(v2sf) =	vpush v1, $0xD;
	s7 =	sshll.u32 s5, $0x2;
	s3 =	sadd.s32 $0x10, s5;
	s10 =	spop (v2sf)  }
0x9b: {  	[dreg:$0x1b] =	wrdreg s0;
	s0 =	sshll.u32 s30, $0x2;
	s8 =	sand.u32 $0x7F, s3  }
0x9c: {  	v0 =	vld [tilespmem:s18+$0x0];
	(v2sf) =	vpush v1, $0xE;
	s9 =	sshll.u32 s3, $0x2;
	s11 =	sand.u32 $0x7F, s10;
	s12 =	sshll.u32 s10, $0x2  }
0x9d: {  	s3 =	sadd.s32 $0x10, s10;
	s20 =	spop (v2sf);
	s24 =	sor.u32 s0, s1  }
0x9e: {  	(v2sf) =	vpush v1, $0xF;
	s1 =	sand.u32 $0xFFFFFE00, s4;
	s0 =	sshll.u32 s2, $0x2;
	s13 =	sand.u32 $0x7F, s3  }
0x9f: {  	s15 =	sshll.u32 s3, $0x2;
	s21 =	sand.u32 $0x7F, s20;
	s23 =	sshll.u32 s20, $0x2  }
0xa0: {  	s3 =	sadd.s32 $0x10, s20;
	s0 =	sor.u32 s0, s1;
	s1 =	sand.u32 $0xFFFFFE00, s7  }
0xa1: {  	(v2sf) =	vpush v0, $0x6;
	s30 =	sand.u32 $0x7F, s3;
	[dreg:$0x1c] =	wrdreg s0;
	s0 =	sshll.u32 s6, $0x2  }
0xa2: {  	s22 =	sor.u32 s0, s1;
	s1 =	sand.u32 $0xFFFFFE00, s9;
	s0 =	sshll.u32 s8, $0x2  }
0xa3: {  	s31 =	sshll.u32 s3, $0x2;
	s24 =	sshra.s32 s24, $0x2;
	s14 =	sor.u32 s0, s1  }
0xa4: {  	s1 =	sand.u32 $0xFFFFFE00, s12;
	s0 =	sshll.u32 s11, $0x2;
	s22 =	sshra.s32 s22, $0x2  }
0xa5: {  	s16 =	sor.u32 s0, s1;
	s1 =	sand.u32 $0xFFFFFE00, s15;
	s0 =	sshll.u32 s13, $0x2  }
0xa6: {  	s13 =	sor.u32 s0, s1;
	s1 =	sand.u32 $0xFFFFFE00, s23;
	s0 =	sshll.u32 s21, $0x2  }
0xa7: {  	s14 =	sshra.s32 s14, $0x2;
	s16 =	sshra.s32 s16, $0x2;
	s10 =	sor.u32 s0, s1  }
0xa8: {  	s1 =	sand.u32 $0xFFFFFE00, s31;
	s0 =	sshll.u32 s30, $0x2;
	s13 =	sshra.s32 s13, $0x2  }
0xa9: {  	s12 =	sor.u32 s0, s1;
	s10 =	sshra.s32 s10, $0x2;
	s2 =	spop (v2sf)  }
0xaa: {  	s4 =	sand.u32 $0x7F, s2;
	s5 =	sshll.u32 s2, $0x2;
	s3 =	sadd.s32 $0x10, s2  }
0xab: {  	s8 =	spop (v2sf);
	s1 =	sand.u32 $0xFFFFFE00, s5;
	s0 =	sshll.u32 s4, $0x2  }
0xac: {  	(v2sf) =	vpush v0, $0x7;
	s6 =	sand.u32 $0x7F, s3;
	s7 =	sshll.u32 s3, $0x2;
	s11 =	sand.u32 $0x7F, s8  }
0xad: {  	s15 =	sshll.u32 s8, $0x2;
	s3 =	sadd.s32 $0x10, s8;
	s23 =	spop (v2sf)  }
0xae: {  	(v2sf) =	vpush v0, $0x8;
	s9 =	sor.u32 s0, s1;
	s1 =	sand.u32 $0xFFFFFE00, s7;
	s0 =	sshll.u32 s6, $0x2  }
0xaf: {  	s20 =	sand.u32 $0x7F, s3;
	s21 =	sshll.u32 s3, $0x2;
	s30 =	sand.u32 $0x7F, s23  }
0xb0: {  	s6 =	sshll.u32 s23, $0x2;
	s8 =	sadd.s32 $0x10, s23;
	s2 =	spop (v2sf)  }
0xb1: {  	(v2sf) =	vpush v0, $0x9;
	s5 =	sor.u32 s0, s1;
	s1 =	sand.u32 $0xFFFFFE00, s15;
	s0 =	sshll.u32 s11, $0x2  }
0xb2: {  	s6 =	sand.u32 $0xFFFFFE00, s6;
	s31 =	sand.u32 $0x7F, s8;
	s15 =	sand.u32 $0x7F, s2  }
0xb3: {  	s9 =	sshra.s32 s9, $0x2;
	s7 =	sor.u32 s0, s1;
	s1 =	sand.u32 $0xFFFFFE00, s21  }
0xb4: {  	s0 =	sshll.u32 s20, $0x2;
	s20 =	sshll.u32 s2, $0x2;
	s5 =	sshra.s32 s5, $0x2  }
0xb5: {  	(v2sf) =	vpush v0, $0xA;
	s4 =	sor.u32 s0, s1;
	s1 =	sshll.u32 s30, $0x2;
	s0 =	sshll.u32 s8, $0x2  }
0xb6: {  	s8 =	sadd.s32 $0x10, s2;
	s3 =	sor.u32 s1, s6;
	s6 =	sand.u32 $0xFFFFFE00, s0  }
0xb7: {  	s1 =	sshll.u32 s31, $0x2;
	s23 =	sand.u32 $0x7F, s8;
	s30 =	sshll.u32 s8, $0x2  }
0xb8: {  	s4 =	sshra.s32 s4, $0x2;
	s11 =	sor.u32 s1, s6;
	s6 =	sand.u32 $0xFFFFFE00, s20  }
0xb9: {  	(v2sf) =	vpush v0, $0xB;
	s1 =	sshll.u32 s15, $0x2;
	s3 =	sshra.s32 s3, $0x2;
	[dreg:$0x18] =	wrdreg s11  }
0xba: {  	s21 =	sor.u32 s1, s6;
	s6 =	sand.u32 $0xFFFFFE00, s30;
	s1 =	sshll.u32 s23, $0x2  }
0xbb: {  	[dreg:$0x19] =	wrdreg s21;
	s1 =	sor.u32 s1, s6;
	s31 =	spop (v2sf)  }
0xbc: {  	[dreg:$0x1a] =	wrdreg s1;
	s2 =	sand.u32 $0x7F, s31;
	s11 =	sshll.u32 s31, $0x2  }
0xbd: {  	s8 =	sadd.s32 $0x10, s31;
	s23 =	spop (v2sf);
	s6 =	sand.u32 $0xFFFFFE00, s11  }
0xbe: {  	s1 =	sshll.u32 s2, $0x2;
	s20 =	sand.u32 $0x7F, s8;
	s21 =	sshll.u32 s8, $0x2  }
0xbf: {  	s31 =	sand.u32 $0x7F, s23;
	s0 =	sshll.u32 s23, $0x2;
	s8 =	sadd.s32 $0x10, s23  }
0xc0: {  	s11 =	spop (v2sf);
	s15 =	sor.u32 s1, s6;
	s6 =	sand.u32 $0xFFFFFE00, s21  }
0xc1: {  	s1 =	sshll.u32 s20, $0x2;
	s2 =	sand.u32 $0x7F, s8;
	s8 =	sshll.u32 s8, $0x2  }
0xc2: {  	s20 =	sshll.u32 s11, $0x2;
	[dreg:$0x1d] =	wrdreg s15;
	s30 =	sor.u32 s1, s6  }
0xc3: {  	s6 =	sand.u32 $0xFFFFFE00, s0;
	s1 =	sshll.u32 s31, $0x2;
	s15 =	sand.u32 $0x7F, s11  }
0xc4: {  	s0 =	spop (v2sf);
	[dreg:$0x1e] =	wrdreg s30;
	s23 =	sor.u32 s1, s6  }
0xc5: {  	s6 =	sand.u32 $0xFFFFFE00, s8;
	s1 =	sshll.u32 s2, $0x2;
	s8 =	sadd.s32 $0x10, s11  }
0xc6: {  	s2 =	sand.u32 $0x7F, s0;
	s11 =	sshll.u32 s0, $0x2;
	s21 =	sor.u32 s1, s6  }
0xc7: {  	s6 =	sand.u32 $0xFFFFFE00, s20;
	s1 =	sshll.u32 s15, $0x2;
	s30 =	sand.u32 $0x7F, s8  }
0xc8: {  	s31 =	sshll.u32 s8, $0x2;
	s8 =	sadd.s32 $0x10, s0;
	s0 =	spop (v2sf)  }
0xc9: {  	s20 =	sor.u32 s1, s6;
	s6 =	sand.u32 $0xFFFFFE00, s31;
	s1 =	sshll.u32 s30, $0x2  }
0xca: {  	s31 =	sshll.u32 s0, $0x2;
	s30 =	sshra.s32 s26, $0x2;
	s26 =	sshra.s32 s28, $0x2  }
0xcb: {  	s28 =	rddreg [dreg:$0xb];
	s15 =	sor.u32 s1, s6;
	s6 =	sand.u32 $0xFFFFFE00, s11  }
0xcc: {  	s1 =	sshll.u32 s2, $0x2;
	s11 =	sand.u32 $0x7F, s8;
	s8 =	sshll.u32 s8, $0x2  }
0xcd: {  	s2 =	sand.u32 $0x7F, s0;
	s31 =	sand.u32 $0xFFFFFE00, s31;
	s0 =	sadd.s32 $0x10, s0  }
0xce: {  	s8 =	sand.u32 $0xFFFFFE00, s8;
	s11 =	sshll.u32 s11, $0x2;
	s2 =	sshll.u32 s2, $0x2  }
0xcf: {  	s6 =	sor.u32 s1, s6;
	s8 =	sor.u32 s11, s8;
	s11 =	sor.u32 s2, s31  }
0xd0: {  	s31 =	sshra.s32 s19, $0x2;
	s19 =	sshra.s32 s25, $0x2;
	s6 =	sshra.s32 s6, $0x2  }
0xd1: {  	s1 =	sadd.s32 s19, s30;
	s2 =	sadd.s32 s19, s31;
	s30 =	sand.u32 $0x7F, s0  }
0xd2: {  	s0 =	sshll.u32 s0, $0x2;
	s31 =	rddreg [dreg:$0xc];
	s24 =	sadd.s32 s19, s24  }
0xd3: {  	s22 =	sadd.s32 s19, s22;
	s14 =	sadd.s32 s19, s14;
	s16 =	sadd.s32 s19, s16;
	v19 =	vld [tilespmem:s1+$0xE00]  }
0xd4: {  	s13 =	sadd.s32 s19, s13;
	s10 =	sadd.s32 s19, s10;
	s9 =	sadd.s32 s19, s9;
	v2 =	vld [tilespmem:s2+$0xE00]  }
0xd5: {  	s6 =	sadd.s32 s19, s6;
	s0 =	sand.u32 $0xFFFFFE00, s0;
	s30 =	sshll.u32 s30, $0x2;
	v30 =	vld [tilespmem:s24+$0x1280]  }
0xd6: {  	s1 =	sshra.s32 s28, $0x2;
	v32 =	vld [tilespmem:s22+$0x1300];
	s2 =	sor.u32 s30, s0;
	s30 =	sadd.s32 s19, s26  }
0xd7: {  	s8 =	sshra.s32 s8, $0x2;
	s1 =	sadd.s32 s19, s1;
	s0 =	sshra.s32 s29, $0x2;
	v3 =	vld [tilespmem:s30+$0xE80]  }
0xd8: {  	s28 =	rddreg [dreg:$0xe];
	s30 =	sshra.s32 s31, $0x2;
	v4 =	vld [tilespmem:s1+$0xE80];
	s0 =	sadd.s32 s19, s0  }
0xd9: {  	(v2sf) =	vpush v0, $0xC;
	s29 =	sshra.s32 s28, $0x2;
	s26 =	rddreg [dreg:$0xd];
	s1 =	sadd.s32 s19, s30;
	v5 =	vld [tilespmem:s0+$0xF00]  }
0xda: {  	s28 =	rddreg [dreg:$0xf];
	s30 =	sadd.s32 s19, s29;
	s0 =	sshra.s32 s26, $0x2;
	v6 =	vld [tilespmem:s1+$0xF00]  }
0xdb: {  	(v2sf) =	vpush v0, $0xD;
	s31 =	sshra.s32 s28, $0x2;
	s29 =	rddreg [dreg:$0x10];
	s0 =	sadd.s32 s19, s0;
	v7 =	vld [tilespmem:s30+$0xF80]  }
0xdc: {  	s28 =	sshra.s32 s29, $0x2;
	s1 =	sadd.s32 s19, s31;
	s30 =	rddreg [dreg:$0x11];
	v8 =	vld [tilespmem:s0+$0xF80];
	v1 =	vadd.f32 v3, v19  }
0xdd: {  	s31 =	rddreg [dreg:$0x12];
	s29 =	sadd.s32 s19, s28;
	s30 =	sshra.s32 s30, $0x2;
	v20 =	vld [tilespmem:s1+$0x1000];
	v2 =	vadd.f32 v4, v2  }
0xde: {  	s31 =	sshra.s32 s31, $0x2;
	s28 =	rddreg [dreg:$0x14];
	s0 =	sadd.s32 s19, s30;
	v21 =	vld [tilespmem:s29+$0x1000];
	v1 =	vadd.f32 v5, v1  }
0xdf: {  	s26 =	sshra.s32 s28, $0x2;
	s30 =	sadd.s32 s19, s31;
	s28 =	rddreg [dreg:$0x13];
	v22 =	vld [tilespmem:s0+$0x1080];
	v2 =	vadd.f32 v6, v2  }
0xe0: {  	s31 =	rddreg [dreg:$0x15];
	s26 =	sadd.s32 s19, s26;
	s1 =	sshra.s32 s28, $0x2;
	v23 =	vld [tilespmem:s30+$0x1080];
	v1 =	vadd.f32 v7, v1  }
0xe1: {  	s31 =	sshra.s32 s31, $0x2;
	s28 =	rddreg [dreg:$0x17];
	s1 =	sadd.s32 s19, s1;
	v24 =	vld [tilespmem:s26+$0x1100];
	v2 =	vadd.f32 v8, v2  }
0xe2: {  	s28 =	sshra.s32 s28, $0x2;
	s29 =	sadd.s32 s19, s31;
	s31 =	rddreg [dreg:$0x16];
	v25 =	vld [tilespmem:s1+$0x1100];
	v1 =	vadd.f32 v20, v1  }
0xe3: {  	s28 =	sadd.s32 s19, s28;
	s0 =	sshra.s32 s31, $0x2;
	s31 =	rddreg [dreg:$0x1b];
	v26 =	vld [tilespmem:s29+$0x1180];
	v2 =	vadd.f32 v21, v2  }
0xe4: {  	(v2sf) =	vpush v0, $0xE;
	s11 =	sshra.s32 s11, $0x2;
	s31 =	sshra.s32 s31, $0x2;
	s0 =	sadd.s32 s19, s0;
	v27 =	vld [tilespmem:s28+$0x1180];
	v1 =	vadd.f32 v22, v1  }
0xe5: {  	s24 =	sadd.s32 s19, s4;
	s30 =	sadd.s32 s19, s31;
	s31 =	rddreg [dreg:$0x1c];
	v28 =	vld [tilespmem:s0+$0x1200];
	v2 =	vadd.f32 v23, v2  }
0xe6: {  	s8 =	sadd.s32 s19, s8;
	s29 =	sshra.s32 s12, $0x2;
	s26 =	sshra.s32 s31, $0x2;
	v29 =	vld [tilespmem:s30+$0x1200];
	v1 =	vadd.f32 v24, v1  }
0xe7: {  	v41 =	vld [tilespmem:s24+$0x1500];
	s24 =	rddreg [dreg:$0x18];
	s12 =	sadd.s32 s19, s29;
	s1 =	sadd.s32 s19, s26;
	v2 =	vadd.f32 v25, v2  }
0xe8: {  	s29 =	sadd.s32 s19, s3;
	s30 =	sshra.s32 s7, $0x2;
	s31 =	spop (v2sf);
	v31 =	vld [tilespmem:s1+$0x1280];
	v1 =	vadd.f32 v26, v1  }
0xe9: {  	v33 =	vld [tilespmem:s14+$0x1300];
	s26 =	sadd.s32 s19, s5;
	s4 =	sshll.u32 s31, $0x2;
	s7 =	sand.u32 $0x7F, s31;
	v2 =	vadd.f32 v27, v2  }
0xea: {  	v34 =	vld [tilespmem:s16+$0x1380];
	s5 =	sadd.s32 $0x10, s31;
	s22 =	spop (v2sf);
	s1 =	sadd.s32 s19, s30;
	v1 =	vadd.f32 v28, v1  }
0xeb: {  	v35 =	vld [tilespmem:s13+$0x1380];
	s0 =	sand.u32 $0xFFFFFE00, s4;
	s4 =	sshll.u32 s7, $0x2;
	s28 =	sand.u32 $0x7F, s5;
	v2 =	vadd.f32 v29, v2  }
0xec: {  	v36 =	vld [tilespmem:s10+$0x1400];
	s5 =	sshll.u32 s5, $0x2;
	s31 =	sand.u32 $0x7F, s22;
	s10 =	sshll.u32 s22, $0x2;
	v1 =	vadd.f32 v30, v1  }
0xed: {  	s7 =	sadd.s32 $0x10, s22;
	s0 =	sor.u32 s4, s0;
	s30 =	sand.u32 $0xFFFFFE00, s5;
	v2 =	vadd.f32 v31, v2  }
0xee: {  	v37 =	vld [tilespmem:s12+$0x1400];
	s4 =	sshll.u32 s28, $0x2;
	s5 =	sand.u32 $0xFFFFFE00, s10;
	s12 =	sand.u32 $0x7F, s7;
	v1 =	vadd.f32 v32, v1  }
0xef: {  	v38 =	vld [tilespmem:s9+$0x1480];
	s7 =	sshll.u32 s7, $0x2;
	s10 =	sshra.s32 s24, $0x2;
	s28 =	rddreg [dreg:$0x19];
	v2 =	vadd.f32 v33, v2  }
0xf0: {  	v39 =	vld [tilespmem:s26+$0x1480];
	s3 =	sor.u32 s4, s30;
	s4 =	sshll.u32 s31, $0x2;
	s7 =	sand.u32 $0xFFFFFE00, s7;
	v1 =	vadd.f32 v34, v1  }
0xf1: {  	(v2sf) =	vpush v0, $0xF;
	v40 =	vld [tilespmem:s1+$0x1500];
	s14 =	sshll.u32 s12, $0x2;
	s26 =	sadd.s32 s19, s10;
	s30 =	rddreg [dreg:$0x1a];
	v2 =	vadd.f32 v35, v2  }
0xf2: {  	s10 =	sshra.s32 s28, $0x2;
	s31 =	rddreg [dreg:$0x1d];
	s5 =	sor.u32 s4, s5;
	v1 =	vadd.f32 v36, v1  }
0xf3: {  	v42 =	vld [tilespmem:s29+$0x1580];
	s4 =	spop (v2sf);
	s7 =	sor.u32 s14, s7;
	s29 =	sadd.s32 s19, s10;
	v2 =	vadd.f32 v37, v2  }
0xf4: {  	v43 =	vld [tilespmem:s26+$0x1580];
	s10 =	sshra.s32 s30, $0x2;
	s12 =	sshra.s32 s31, $0x2;
	s14 =	rddreg [dreg:$0x1e];
	v1 =	vadd.f32 v38, v1  }
0xf5: {  	s16 =	sand.u32 $0x7F, s4;
	s22 =	sshll.u32 s4, $0x2;
	v44 =	vld [tilespmem:s29+$0x1600];
	s10 =	sadd.s32 s19, s10;
	v2 =	vadd.f32 v39, v2  }
0xf6: {  	s13 =	sadd.s32 s19, s12;
	s12 =	sshra.s32 s14, $0x2;
	s9 =	sand.u32 $0xFFFFFE00, s22;
	v45 =	vld [tilespmem:s10+$0x1600];
	v1 =	vadd.f32 v40, v1  }
0xf7: {  	s1 =	sshll.u32 s16, $0x2;
	s16 =	sadd.s32 s19, s12;
	s22 =	sshra.s32 s23, $0x2;
	v46 =	vld [tilespmem:s13+$0x1680];
	v0 =	vadd.f32 v41, v2  }
0xf8: {  	s2 =	sshra.s32 s2, $0x2;
	s23 =	sshra.s32 s21, $0x2;
	s24 =	sadd.s32 s19, s22;
	v47 =	vld [tilespmem:s16+$0x1680];
	v1 =	vadd.f32 v42, v1  }
0xf9: {  	s2 =	sadd.s32 s19, s2;
	s28 =	sshra.s32 s20, $0x2;
	s26 =	sadd.s32 s19, s23;
	v48 =	vld [tilespmem:s24+$0x1700];
	v0 =	vadd.f32 v43, v0  }
0xfa: {  	s0 =	sshra.s32 s0, $0x2;
	s30 =	sshra.s32 s15, $0x2;
	s29 =	sadd.s32 s19, s28;
	v49 =	vld [tilespmem:s26+$0x1700];
	v1 =	vadd.f32 v44, v1  }
0xfb: {  	s0 =	sadd.s32 s19, s0;
	s3 =	sshra.s32 s3, $0x2;
	s31 =	sadd.s32 s19, s30;
	v50 =	vld [tilespmem:s29+$0x1780];
	v0 =	vadd.f32 v45, v0  }
0xfc: {  	s5 =	sshra.s32 s5, $0x2;
	s3 =	sadd.s32 s19, s3;
	s4 =	sadd.s32 $0x10, s4;
	v51 =	vld [tilespmem:s31+$0x1780];
	v1 =	vadd.f32 v46, v1  }
0xfd: {  	v52 =	vld [tilespmem:s6+$0x1800];
	s12 =	sadd.s32 s19, s11;
	s5 =	sadd.s32 s19, s5;
	s13 =	sshra.s32 s7, $0x2;
	v0 =	vadd.f32 v47, v0  }
0xfe: {  	v53 =	vld [tilespmem:s8+$0x1800];
	s14 =	sand.u32 $0x7F, s4;
	s4 =	sshll.u32 s4, $0x2;
	s1 =	sor.u32 s1, s9;
	v1 =	vadd.f32 v48, v1  }
0xff: {  	s6 =	sadd.s32 s19, s13;
	v54 =	vld [tilespmem:s12+$0x1880];
	s15 =	sand.u32 $0xFFFFFE00, s4;
	s16 =	sshll.u32 s14, $0x2;
	v0 =	vadd.f32 v49, v0  }
0x100: {  	v55 =	vld [tilespmem:s2+$0x1880];
	s1 =	sshra.s32 s1, $0x2;
	s21 =	sor.u32 s16, s15;
	s20 =	spop (v2sf);
	v1 =	vadd.f32 v50, v1  }
0x101: {  	v56 =	vld [tilespmem:s0+$0x1900];
	s1 =	sadd.s32 s19, s1;
	s0 =	sshra.s32 s21, $0x2;
	s23 =	sshll.u32 s20, $0x2;
	v0 =	vadd.f32 v51, v0  }
0x102: {  	v57 =	vld [tilespmem:s3+$0x1900];
	s22 =	sand.u32 $0x7F, s20;
	s26 =	sadd.s32 $0x10, s20;
	s24 =	sand.u32 $0xFFFFFE00, s23;
	v1 =	vadd.f32 v52, v1  }
0x103: {  	v58 =	vld [tilespmem:s5+$0x1980];
	s2 =	sshll.u32 s22, $0x2;
	s28 =	sand.u32 $0x7F, s26;
	s4 =	sshll.u32 s26, $0x2;
	v0 =	vadd.f32 v53, v0  }
0x104: {  	v59 =	vld [tilespmem:s6+$0x1980];
	s2 =	sor.u32 s2, s24;
	s4 =	sand.u32 $0xFFFFFE00, s4;
	s3 =	sshll.u32 s28, $0x2;
	v1 =	vadd.f32 v54, v1  }
0x105: {  	v60 =	vld [tilespmem:s1+$0x1A00];
	s0 =	sadd.s32 s19, s0;
	s29 =	sor.u32 s3, s4;
	s2 =	sshra.s32 s2, $0x2;
	v0 =	vadd.f32 v55, v0  }
0x106: {  	v61 =	vld [tilespmem:s0+$0x1A00];
	s30 =	sadd.s32 s19, s2;
	s1 =	sshra.s32 s29, $0x2;
	v1 =	vadd.f32 v56, v1  }
0x107: {  	v62 =	vld [tilespmem:s30+$0x1A80];
	s31 =	sadd.s32 s19, s1;
	v0 =	vadd.f32 v57, v0  }
0x108: {  	v63 =	vld [tilespmem:s31+$0x1A80];
	v1 =	vadd.f32 v58, v1  }
0x109: {  	v0 =	vadd.f32 v59, v0  }
0x10a: {  	p0 =	sne.s32 s25, $0x64C00;
	v1 =	vadd.f32 v60, v1  }
.Ltmp1:
0x10b: {  	v0 =	vadd.f32 v61, v0;
	(pc) =	sbr.rel @p0 .LBB2_5-.Ltmp1, $4  }
0x10c: {  	v1 =	vadd.f32 v62, v1  }
0x10d: {  	v0 =	vadd.f32 v63, v0  }
0x10e: {  	[tilespmem:s17+$0xFFFFFFF0] =	vst v1  }
0x10f: {  	s18 =	sadd.s32 $0x1A, s18;
	s25 =	sadd.s32 $0x3400, s25;
	[tilespmem:s17+$0x0] =	vst v0;
	s17 =	sadd.s32 $0x80, s17  }
0x110: {  	s0 =	rddreg [dreg:$0xa]  }
0x111: {  	s1 =	rddreg [dreg:$0x5];
	s30 =	simm.s32 $0x0;
	s0 =	sshll.u32 s0, $0x9  }
0x112: {  	s2 =	simm.s32 $0x1AE00;
	s3 =	simm.s32 $0x2;
	s0 =	sadd.s32 s1, s0  }
0x113: {  	[hbm4b:s0+s30] =	stream.linear.scatter [tilespmem:s2], [sflag:$0x2], $0x1000, $0x38;
	[tilespmem:$0x1BE00] =	vst v63  }
0x114: {  	_ =	swait.ge [sflag:s3], $0x1000  }
0x115: {  	s31 =	rddreg [dreg:$0x9]  }
0x116: {  	s1 =	sadd.s32 $0x1, s31  }
0x117: {  	p0 =	sne.s32 s1, $0x10  }
.Ltmp2:
0x118: {  	_ = 	snop;
	(pc) =	sbr.rel @p0 .LBB2_2-.Ltmp2, $3  }
0x119: {  	_ =	sdelay $0x1  }
0x11a: {  	[sflag:s3] =	ssyncset.done $0x0  }
0x11b: {  	[sflag:s3] =	ssyncadd.s32 $0xFFFFF000  }
0x11c: {  	s1 =	rddreg [dreg:$0x8]  }
0x11d: {  	s0 =	rddreg [dreg:$0x7];
	s1 =	sadd.s32 $0x1, s1  }
0x11e: {  	p0 =	sne.s32 s1, s0  }
.Ltmp3:
0x11f: {  	_ = 	snop;
	(pc) =	sbr.rel @p0 .LBB2_1-.Ltmp3, $1  }
0x120: {  	_ =	sdelay $0x3  }
0x121: {  	_ =	sfence.sel $0x180000  }
0x122: {  	[bflag:$0x0] =	sbarrier.arrive $0xFFFF  }
0x123: {  	_ =	strace $0x9000004D  }
0x124: {  	s0 =	stileid.u32;
	[bflag:$0x2] =	sbarrier.arrive $0xFFFF  }
0x125: {  	p0 =	sne.s32 s0, $0x0;
	s0 =	rddreg [dreg:$0x2]  }
0x126: {  	s0 =	sadd.s32 @!p0 $0x100000, s0  }
0x127: {  	[sflag:s0] =	ssyncadd.tile.s32 @!p0 $0x1;
	_ =	shalt  }
.Lfunc_end2:
_tile_overlayer_lowered:
.L_overlay_start_2:
0x128: {  	(tag) =	ssettag $0x2  }
0x129: {  	s0 =	rddreg [dreg:$0x0];
	s2 =	stileid.u32  }
0x12a: {  	s1 =	rddreg [dreg:$0x1];
	p0 =	sne.s32 s2, $0x0  }
0x12b: {  	s3 =	rddreg [dreg:$0x2];
	[bflag:$0x3] =	sbarrier.arrive $0xFFFF;
	s2 =	simm.s32 @!p0 $0x1C02  }
0x12c: {  	[timem:s3], [sflag:s2] =	dma.local @!p0 [hbm:s0], s1  }
0x12d: {  	s0 =	simm.s32 @!p0 $0x2  }
0x12e: {  	_ =	swait.ge @!p0 [sflag:s0], s1  }
0x12f: {  	s1 =	ssub.s32 @!p0 $0x0, s1;
	[sflag:s0] =	ssyncset.done @!p0 $0x0  }
0x130: {  	[sflag:s0] =	ssyncadd.s32 @!p0 s1  }
0x131: {  	[bflag:$0x3] =	sbarrier.arrive $0xFFFF  }
0x132: {  	_ =	shalt  }

// kernel: sparse-core-data-format-call.1.cloned.1.call-start
scs
called_computation.1_lowered:
.L_overlay_start_0:
0x0: {  	s2 =	sld [smem:$0x3FD9]  }
0x1: {  	s3 =	sld [smem:$0x3FFE];
	_ =	sdelay $0x1  }
0x2: {  	s1 =	srdreg.scid  }
0x3: {  	s0 =	sand.u32 $0x1, s1  }
0x4: {  	s18 =	sshll.u32 s0, $0xA;
	s2 =	sadd.s32 s3, s2  }
0x5: {  	s2 =	sadd.s32 s2, s18  }
0x6: {  	[smem:$0x3FC5] =	sst s2  }
0x7: {  	_ = 	snop  }
0x8: {  	s2 =	sld [smem:$0x3FC8];
	(tm) =	ssettm $0x1  }
0x9: {  	s19 =	sld [smem:$0x3FFB];
	_ =	sdelay $0x3  }
0xa: {  	_ =	strace s19  }
0xb: {  	s3 =	sld [smem:$0x3FFC];
	_ =	sdelay $0x3  }
0xc: {  	_ =	strace s3  }
0xd: {  	s3 =	sld [smem:$0x3FFD];
	_ =	sdelay $0x3  }
0xe: {  	_ =	strace s3  }
0xf: {  	_ =	strace $0x8FFFFFFF  }
0x10: {  	s20 =	sld [smem:$0x3FDB];
	_ =	sdelay $0x1  }
0x11: {  	s4 =	simm.s32 $_scs_section_size  }
0x12: {  	s5 =	simm.s32 $_size__tile_overlayer_lowered;
	s6 =	simm.s32 $_tile_overlayer_lowered  }
0x13: {  	s23 =	simm.s32 $0x1BFF;
	s22 =	sshll.u32 s6, $0x1;
	s3 =	sadd.s32 s4, s20  }
0x14: {  	s7 =	simm.s32 $0x0;
	s21 =	sshll.u32 s5, $0x1;
	s5 =	sadd.s32 s22, s3  }
0x15: {  	[timem:s7], [sflag:s23] =	dma.local [hbm:s5], s21  }
0x16: {  	_ =	swait.ge [sflag:s23], s21  }
0x17: {  	s4 =	ssub.s32 $0x0, s21;
	[sflag:s23] =	ssyncset.done $0x0  }
0x18: {  	[sflag:s23] =	ssyncadd.s32 s4;
	_ =	sdelay $0x1  }
0x19: {  	s24 =	simm.s32 $0x1B8B  }
0x1a: {  	_ =	swait.ge [sflag:s24], $0x1  }
0x1b: {  	[sflag:s24] =	ssyncset.done $0x0  }
0x1c: {  	s26 =	simm.s32 $0x1B8E;
	s25 =	sld [smem:$0x3FFE];
	[sflag:s24] =	ssyncadd.s32 $0xFFFFFFFF  }
0x1d: {  	s27 =	simm.s32 $execute0_lowered;
	[smem:$0x3FD2] =	sst s26  }
0x1e: {  	s5 =	sshll.u32 s27, $0x1;
	_ =	strace $0x80000046;
	[dreg:$0x1] =	wrdreg $0xFFFFFFFF  }
0x1f: {  	s28 =	simm.s32 $_size_execute0_lowered;
	s3 =	sadd.s32 s3, s5;
	[dreg:$0x0] =	wrdreg $0x0  }
0x20: {  	s5 =	sshll.u32 s28, $0x1;
	[dreg:$0x2] =	wrdreg s3  }
0x21: {  	[dreg:$0x3] =	wrdreg s5  }
0x22: {  	[dreg:$0x4] =	wrdreg $0xC0  }
0x23: {  	_ =	task [dreg:s7], $0x5FFFF  }
0x24: {  	[dreg:$0x1] =	wrdreg $0xFFFFFFFF  }
0x25: {  	[dreg:$0x0] =	wrdreg $0x60  }
0x26: {  	[dreg:$0x2] =	wrdreg s2  }
0x27: {  	[dreg:$0x3] =	wrdreg s25  }
0x28: {  	[dreg:$0x4] =	wrdreg $0x9  }
0x29: {  	_ =	task.clear_ibuf [dreg:s7], $0x5FFFF;
	_ =	strace $0x90000046  }
0x2a: {  	s29 =	simm.s32 $0x9;
	_ =	strace $0x80000048  }
0x2b: {  	_ =	swait.ge [sflag:s29], $0x1  }
0x2c: {  	[sflag:s29] =	ssyncadd.s32 $0xFFFFFFFF  }
0x2d: {  	_ =	strace $0x90000048  }
0x2e: {  	_ =	sfence  }
0x2f: {  	s30 =	sld [smem:$0x0];
	_ =	sdelay $0x2  }
0x30: {  	s31 =	sshll.u32 s1, $0xD;
	s1 =	sshrl.u32 s1, $0x2  }
0x31: {  	s3 =	sand.u32 $0x4000, s31;
	s1 =	sadd.s32 s1, s30  }
0x32: {  	s0 =	sor.u32 s3, s0;
	s1 =	sshll.u32 s1, $0x11  }
0x33: {  	s0 =	sor.u32 s1, s0  }
0x34: {  	s0 =	sadd.s32 $0x8F2B, s0  }
0x35: {  	[sflag:s0] =	ssyncadd.remote.s32 $0x1  }
0x36: {  	_ =	sfence.sel $0xFFFF  }
0x37: {  	[dreg:$0x0] =	wrdreg $0xFFFFFFFF;
	(pc) =	sbr.abs _section_cstart, $3  }
0x38: {  	[dreg:$0x1] =	wrdreg $0xFFFFFFFF  }
0x39: {  	_ =	task.clear_ibuf [dreg:s7], $0x2FFFF;
	_ =	strace $0x9FFFFFFF  }
0x3a: {  	(tm) =	ssettm $0x7FFFFFFF  }
0x3b: {  	_ =	shalt  }
tec
execute0_lowered:
.L_overlay_start_1:
0x0: {  	(tag) =	ssettag $0x1  }
0x1: {  	s0 =	srdreg.scid;
	s2 =	rddreg [dreg:$0x0]  }
0x2: {  	s5 =	rddreg [dreg:$0x1];
	s1 =	stileid.u32  }
0x3: {  	s4 =	simm.s32 $0x1;
	s6 =	simm.s32 $0x2;
	s15 =	simm.s32 $0x0  }
0x4: {  	p0 =	por $0x0, $0x0;
	s8 =	simm.s32 $0x80;
	s0 =	sshll.u32 s0, $0x4  }
0x5: {  	s14 =	simm.s32 $0x0;
	s9 =	simm.s32 $0x0;
	s3 =	sand.u32 $0x10, s0  }
.Ltmp0:
0x6: {  	s10 =	simm.s32 $0x0;
	s3 =	sor.u32 s1, s3;
	(pc) =	sbr.rel .LBB1_1-.Ltmp0, $4  }
0x7: {  	s0 =	rddreg [dreg:$0x2];
	_ =	strace $0x80000047;
	s3 =	sshll.u32 s3, $0x7  }
0x8: {  	s12 =	simm.s32 $0x0;
	[sflag:s4] =	ssyncpa.u1 $0x0;
	s7 =	ssub.s32 $0x27AC00, s3  }
0x9: {  	s13 =	simm.s32 $0x0;
	[sflag:s6] =	ssyncpa.u1 $0x0;
	s6 =	sshrl.u32 s7, $0xC  }
0xa: {  	s5 =	sadd.s32 $0x1000, s5;
	s11 =	smov.u32 s3;
	s7 =	sadd.s32 $0x2, s6  }
.LBB1_5:
0xb: {  	p1 =	slt.u32 s13, $0x2  }
0xc: {  	s17 =	smov.u32 s15;
	p2 =	sgt.s32 @!p1 s15, $0x27ABC0;
	s16 =	sshra.s32 @!p1 s15, $0x1F  }
0xd: {  	p3 =	sgt.s32 @!p1 s14, $0x60;
	s18 =	sshra.s32 @!p1 s14, $0x1F;
	p2 =	por !p2, p1  }
0xe: {  	s15 =	sand.u32 @!p1 s16, s15;
	p3 =	por !p3, p1;
	s16 =	smov.u32 s14  }
0xf: {  	s14 =	sand.u32 @!p1 s18, s14;
	s17 =	simm.s32 @p2 $0x27ABC0;
	s16 =	simm.s32 @p3 $0x60  }
0x10: {  	s15 =	ssub.s32 @!p1 s17, s15;
	s14 =	ssub.s32 @!p1 s16, s14  }
0x11: {  	s18 =	smov.u32 s12;
	s16 =	sadd.s32 @!p1 $0xFFD85440, s15;
	s17 =	sadd.s32 @!p1 $0xFFFFFFA0, s14  }
0x12: {  	s15 =	ssub.s32 @!p1 $0x27AC40, s15;
	p2 =	sgt.s32 @!p1 s16, $0x7F;
	p3 =	sgt.s32 @!p1 s17, $0x1F  }
0x13: {  	s14 =	ssub.s32 @!p1 $0x80, s14;
	p2 =	por !p2, p1;
	p3 =	por !p3, p1  }
0x14: {  	s16 =	sadd.s32 $0x1000, s11;
	s15 =	simm.s32 @!p2 $0x0;
	s14 =	simm.s32 @!p3 $0x0  }
0x15: {  	p2 =	sgt.s32 s16, $0x27AC3F;
	s14 =	smul.u32 @!p1 s14, s15;
	s15 =	sadd.s32 $0x20, s12  }
0x16: {  	s18 =	smov.u32 @p2 s15  }
0x17: {  	s16 =	smov.u32 @p2 s3;
	p2 =	sgt.s32 s18, $0x1F  }
0x18: {  	s18 =	simm.s32 @p2 $0x0;
	p2 =	sne.s32 s13, s7  }
.Ltmp1:
0x19: {  	p0 =	por !p0, !p0;
	s17 =	simm.s32 @!p1 $0x2;
	(pc) =	sbr.rel @!p2 .LBB1_6-.Ltmp1, $4  }
0x1a: {  	s15 =	smov.u32 s9;
	s9 =	smov.u32 s11;
	s14 =	sand.u32 @!p1 $0x3FFFFFFF, s14  }
0x1b: {  	s11 =	smov.u32 s16;
	_ =	swait.ge @!p1 [sflag:s17], s14;
	s19 =	ssub.s32 @!p1 $0x0, s14  }
0x1c: {  	s14 =	smov.u32 s10;
	s13 =	sadd.s32 $0x1, s13;
	[sflag:s17] =	ssyncset.done @!p1 $0x0  }
0x1d: {  	s10 =	smov.u32 s12;
	s12 =	smov.u32 s18;
	[sflag:s17] =	ssyncadd.s32 @!p1 s19  }
.LBB1_1:
0x1e: {  	p1 =	sgt.u32 s13, s6  }
0x1f: {  	s16 =	sshrl.u32 @!p1 s12, $0x3  }
0x20: {  	s17 =	sshll.u32 @!p1 s11, $0x3;
	s16 =	smul.u32 @!p1 $0x13D6400, s16  }
0x21: {  	s18 =	sshll.u32 @!p1 s12, $0x7;
	s17 =	sand.u32 @!p1 $0xFFFFFC00, s17  }
0x22: {  	s16 =	sadd.s32 @!p1 s16, s17;
	s17 =	sand.u32 @!p1 $0x380, s18  }
0x23: {  	s18 =	sand.u32 @!p1 $0x7F, s11;
	s16 =	sor.u32 @!p1 s17, s16  }
0x24: {  	s17 =	sor.u32 @!p1 s18, s16  }
0x25: {  	s18 =	smulhi.u32 @!p1 $0xCE7BD5B5, s17;
	_ =	sdelay $0x1  }
0x26: {  	s16 =	smulhi.u32 @!p1 $0xCE7BD5B5, s16;
	s18 =	sshrl.u32 @!p1 s18, $0x15  }
0x27: {  	s18 =	smul.u32 @!p1 $0x27AC80, s18  }
0x28: {  	s19 =	sxor.u32 @!p1 $0xFFFFFFFF, s13;
	s16 =	sshrl.u32 @!p1 s16, $0x15  }
0x29: {  	s19 =	sshll.u32 @!p1 s19, $0xC;
	s16 =	sand.u32 @!p1 $0x1F, s16;
	s17 =	ssub.s32 @!p1 s17, s18  }
0x2a: {  	s16 =	smul.u32 @!p1 $0x4F590, s16;
	s18 =	sshrl.u32 @!p1 s17, $0x3;
	s17 =	sand.u32 @!p1 $0x7, s17  }
0x2b: {  	s19 =	sand.u32 @!p1 $0x1000, s19;
	s18 =	sadd.s32 @!p1 s2, s18;
	s17 =	sshll.u32 @!p1 s17, $0x12  }
0x2c: {  	s16 =	sadd.s32 @!p1 s16, s18;
	s17 =	sor.u32 @!p1 $0x400, s17;
	s18 =	simm.s32 @!p1 $0x13D6400  }
0x2d: {  	[tilespmem:s19], [sflag:$0x1] =	stream.strided.gather @!p1 [hbm4b:s16+s17], $0x1000, s18, s17, $0x38;
	[tilespmem:$0x4100] =	vst v63  }
0x2e: {  	p1 =	seq.s32 s13, $0x0  }
0x2f: {  	p2 =	sge.u32 @!p1 s13, s7  }
0x30: {  	p1 =	por p1, p2  }
.Ltmp2:
0x31: {  	_ = 	snop;
	(pc) =	sbr.rel @p1 .LBB1_5-.Ltmp2, $1  }
0x32: {  	_ =	sdelay $0x3  }
0x33: {  	s16 =	simm.s32 $0x1  }
0x34: {  	_ =	swait.ge [sflag:s4], $0x1000;
	s16 =	simm.s32 @!p0 $0x0  }
0x35: {  	[sflag:s4] =	ssyncset.done $0x0;
	s17 =	sshll.u32 s16, $0xC  }
0x36: {  	[sflag:s4] =	ssyncadd.s32 $0xFFFFF000;
	s18 =	sor.u32 $0x40, s17  }
0x37: {  	s16 =	smul.u32 $0x4200, s16;
	v0 =	vld [tilespmem:s18+$0x30]  }
0x38: {  	v1 =	vld [tilespmem:s18+$0xFFFFFFD0]  }
0x39: {  	s16 =	sshrl.u32 s16, $0x2;
	v5 =	vld [tilespmem:s18+$0xFFFFFFE0]  }
0x3a: {  	v6 =	vld [tilespmem:s18+$0xFFFFFFF0];
	s19 =	sor.u32 $0x2000, s16  }
0x3b: {  	s31 =	sand.u32 $0x1, s13;
	v4 =	vld [tilespmem:s18+$0x0];
	s17 =	sadd.s32 $0x0, s19  }
0x3c: {  	v3 =	vld [tilespmem:s18+$0x10];
	s16 =	smul.u32 $0x4200, s31;
	[tilespmem:s17+$0xE70 ss:$0x21] =	vst.msk $0xffff, v0  }
0x3d: {  	v2 =	vld [tilespmem:s18+$0x20];
	[tilespmem:s17+$0x210 ss:$0x21] =	vst.msk $0xffff, v1  }
0x3e: {  	s16 =	sshrl.u32 s16, $0x2;
	v1 =	vld [tilespmem:s18+$0xFFFFFFC0];
	[tilespmem:s17+$0x420 ss:$0x21] =	vst.msk $0xffff, v5;
	s18 =	sadd.s32 $0x80, s18  }
0x3f: {  	s20 =	simm.s32 $0x4;
	s21 =	simm.s32 $0x8;
	s16 =	sor.u32 $0x2000, s16;
	[tilespmem:s17+$0x630 ss:$0x21] =	vst.msk $0xffff, v6;
	v0 =	vld [tilespmem:s18+$0x30]  }
.LBB1_3:
0x40: {  	p1 =	sne.s32 s21, $0x7C;
	v5 =	vld [tilespmem:s18+$0xFFFFFFD0];
	[tilespmem:s17+$0x840 ss:$0x21] =	vst.msk $0xffff, v4  }
0x41: {  	v6 =	vld [tilespmem:s18+$0xFFFFFFE0];
	[tilespmem:s17+$0xA50 ss:$0x21] =	vst.msk $0xffff, v3  }
0x42: {  	s22 =	sshra.s32 s20, $0x2;
	s20 =	smov.u32 s21;
	v7 =	vld [tilespmem:s18+$0xFFFFFFF0];
	[tilespmem:s17+$0xC60 ss:$0x21] =	vst.msk $0xffff, v2  }
.Ltmp3:
0x43: {  	v4 =	vld [tilespmem:s18+$0x0];
	[tilespmem:s17+$0x0 ss:$0x21] =	vst.msk $0xffff, v1;
	s17 =	sadd.s32 s22, s19;
	(pc) =	sbr.rel @p1 .LBB1_3-.Ltmp3, $4  }
0x44: {  	v3 =	vld [tilespmem:s18+$0x10];
	[tilespmem:s17+$0xE70 ss:$0x21] =	vst.msk $0xffff, v0  }
0x45: {  	[tilespmem:s17+$0x210 ss:$0x21] =	vst.msk $0xffff, v5;
	v2 =	vld [tilespmem:s18+$0x20]  }
0x46: {  	v1 =	vld [tilespmem:s18+$0xFFFFFFC0];
	[tilespmem:s17+$0x420 ss:$0x21] =	vst.msk $0xffff, v6;
	s18 =	sadd.s32 $0x80, s18  }
0x47: {  	s21 =	sadd.s32 $0x4, s21;
	v0 =	vld [tilespmem:s18+$0x30];
	[tilespmem:s17+$0x630 ss:$0x21] =	vst.msk $0xffff, v7  }
0x48: {  	s21 =	sshll.u32 s9, $0x7;
	s22 =	sshll.u32 s10, $0x3;
	s20 =	sshra.s32 s20, $0x2  }
0x49: {  	p1 =	sgt.s32 s9, $0x27ABC0;
	s23 =	sand.u32 $0xFFFFFC00, s21;
	s22 =	sand.u32 $0xFFFFFC00, s22  }
0x4a: {  	v5 =	vld [tilespmem:s18+$0xFFFFFFD0];
	s30 =	sshra.s32 s9, $0x1F;
	s21 =	sand.u32 $0x380, s21;
	s22 =	sadd.s32 s22, s23  }
0x4b: {  	v6 =	vld [tilespmem:s18+$0xFFFFFFE0];
	[tilespmem:s17+$0x840 ss:$0x21] =	vst.msk $0xffff, v4;
	s25 =	sshra.s32 s10, $0x1F;
	s19 =	sadd.s32 s20, s19;
	s29 =	sor.u32 s21, s22  }
0x4c: {  	v60 =	vld [tilespmem:s18+$0xFFFFFFF0];
	[tilespmem:s17+$0xA50 ss:$0x21] =	vst.msk $0xffff, v3;
	s21 =	smov.u32 s9;
	s22 =	sand.u32 s30, s9;
	s30 =	sand.u32 $0x7, s10  }
0x4d: {  	v61 =	vld [tilespmem:s18+$0x0];
	[tilespmem:s17+$0xC60 ss:$0x21] =	vst.msk $0xffff, v2;
	s20 =	sshrl.u32 s29, $0x7;
	s21 =	simm.s32 @!p1 $0x27ABC0;
	p1 =	sgt.s32 s10, $0x60  }
0x4e: {  	v62 =	vld [tilespmem:s18+$0x10];
	[tilespmem:s17+$0x0 ss:$0x21] =	vst.msk $0xffff, v1;
	s29 =	sshrl.u32 s10, $0x3;
	s24 =	ssub.s32 s21, s22;
	s21 =	smov.u32 s10  }
0x4f: {  	v63 =	vld [tilespmem:s18+$0x20];
	[tilespmem:s19+$0xE70 ss:$0x21] =	vst.msk $0xffff, v0;
	s31 =	smulhi.u32 $0xCE7D23, s20;
	s22 =	sand.u32 s25, s10;
	s21 =	simm.s32 @!p1 $0x60  }
0x50: {  	[tilespmem:s19+$0x210 ss:$0x21] =	vst.msk $0xffff, v5;
	s27 =	sadd.s32 $0xFFD85440, s24;
	s17 =	ssub.s32 $0x27AC40, s24;
	s21 =	ssub.s32 s21, s22  }
0x51: {  	v7 =	vld [tilespmem:s18+$0xFFFFFFC0];
	[tilespmem:s19+$0x420 ss:$0x21] =	vst.msk $0xffff, v6;
	s26 =	sshrl.u32 s31, $0xD;
	p1 =	sgt.s32 s27, $0x7F;
	s28 =	sadd.s32 $0xFFFFFFA0, s21  }
0x52: {  	[tilespmem:s19+$0x630 ss:$0x21] =	vst.msk $0xffff, v60;
	s18 =	smul.u32 $0x27AC40, s26;
	s21 =	ssub.s32 $0x80, s21;
	p2 =	sgt.s32 s28, $0x1F  }
.Ltmp4:
0x53: {  	[tilespmem:s19+$0x840 ss:$0x21] =	vst.msk $0xffff, v61;
	s17 =	simm.s32 @p1 $0x0;
	s21 =	simm.s32 @p2 $0x0;
	(pc) =	sbr.rel .LBB1_5-.Ltmp4, $4  }
0x54: {  	[tilespmem:s19+$0xA50 ss:$0x21] =	vst.msk $0xffff, v62;
	s18 =	ssub.s32 s20, s18;
	s20 =	sand.u32 $0xF, s29;
	s17 =	smul.u32 s21, s17  }
0x55: {  	[tilespmem:s19+$0xC60 ss:$0x21] =	vst.msk $0xffff, v63;
	s18 =	sshll.u32 s18, $0x4;
	s20 =	sadd.s32 s5, s20;
	s21 =	sshll.u32 s30, $0x12  }
0x56: {  	[tilespmem:s19+$0x0 ss:$0x21] =	vst.msk $0xffff, v7;
	s18 =	sadd.s32 s18, s20;
	s31 =	sor.u32 $0x20, s21;
	s17 =	sand.u32 $0x3FFFFFFF, s17  }
0x57: {  	[hbm4b:s18+s31] =	stream.strided.scatter [tilespmem:s16], [sflag:$0x2], s17, s8, s31, $0x10;
	[tilespmem:$0x4100] =	vst v63  }
.LBB1_6:
0x58: {  	_ =	sfence.sel $0x180000  }
0x59: {  	s2 =	simm.s32 $0x1;
	[bflag:$0x0] =	sbarrier.arrive $0xFFFF  }
0x5a: {  	s31 =	simm.s32 $0x2;
	[sflag:s2] =	ssyncpa.u1 $0x1  }
0x5b: {  	[sflag:s31] =	ssyncpa.u1 $0x1  }
0x5c: {  	p0 =	sne.s32 s1, $0x0;
	_ =	strace $0x90000047  }
0x5d: {  	s0 =	sadd.s32 @!p0 $0x100000, s0;
	[bflag:$0x2] =	sbarrier.arrive $0xFFFF  }
0x5e: {  	[sflag:s0] =	ssyncadd.tile.s32 @!p0 $0x1;
	_ =	shalt  }
.Lfunc_end1:
_tile_overlayer_lowered:
.L_overlay_start_2:
0x5f: {  	(tag) =	ssettag $0x2  }
0x60: {  	s0 =	rddreg [dreg:$0x0];
	s2 =	stileid.u32  }
0x61: {  	s1 =	rddreg [dreg:$0x1];
	p0 =	sne.s32 s2, $0x0  }
0x62: {  	s3 =	rddreg [dreg:$0x2];
	[bflag:$0x3] =	sbarrier.arrive $0xFFFF;
	s2 =	simm.s32 @!p0 $0x1C01  }
0x63: {  	[timem:s3], [sflag:s2] =	dma.local @!p0 [hbm:s0], s1  }
0x64: {  	s0 =	simm.s32 @!p0 $0x1  }
0x65: {  	_ =	swait.ge @!p0 [sflag:s0], s1  }
0x66: {  	s1 =	ssub.s32 @!p0 $0x0, s1;
	[sflag:s0] =	ssyncset.done @!p0 $0x0  }
0x67: {  	[sflag:s0] =	ssyncadd.s32 @!p0 s1  }
0x68: {  	[bflag:$0x3] =	sbarrier.arrive $0xFFFF  }
0x69: {  	_ =	shalt  }

// kernel: sparse-core-data-format-call.cloned.1.call-start
scs
called_computation_lowered:
.L_overlay_start_0:
0x0: {  	s1 =	sld [smem:$0x3FD9]  }
0x1: {  	s2 =	sld [smem:$0x3FFE];
	_ =	sdelay $0x1  }
0x2: {  	s3 =	srdreg.scid  }
0x3: {  	s0 =	sand.u32 $0x1, s3  }
0x4: {  	s17 =	sshll.u32 s0, $0xA;
	s1 =	sadd.s32 s2, s1  }
0x5: {  	s1 =	sadd.s32 s1, s17  }
0x6: {  	[smem:$0x3FC5] =	sst s1  }
0x7: {  	_ = 	snop  }
0x8: {  	(tm) =	ssettm $0x1  }
0x9: {  	s18 =	sld [smem:$0x3FFB];
	_ =	sdelay $0x3  }
0xa: {  	_ =	strace s18  }
0xb: {  	s1 =	sld [smem:$0x3FFC];
	_ =	sdelay $0x3  }
0xc: {  	_ =	strace s1  }
0xd: {  	s1 =	sld [smem:$0x3FFD];
	_ =	sdelay $0x3  }
0xe: {  	_ =	strace s1  }
0xf: {  	_ =	strace $0x8FFFFFFF  }
0x10: {  	s19 =	sld [smem:$0x3FDB];
	_ =	sdelay $0x1  }
0x11: {  	s20 =	simm.s32 $_scs_section_size  }
0x12: {  	s4 =	simm.s32 $_size__tile_overlayer_lowered;
	s5 =	simm.s32 $_tile_overlayer_lowered  }
0x13: {  	s23 =	simm.s32 $0x1BFF;
	s22 =	sshll.u32 s5, $0x1;
	s1 =	sadd.s32 s20, s19  }
0x14: {  	s6 =	simm.s32 $0x0;
	s21 =	sshll.u32 s4, $0x1;
	s4 =	sadd.s32 s22, s1  }
0x15: {  	[timem:s6], [sflag:s23] =	dma.local [hbm:s4], s21  }
0x16: {  	_ =	swait.ge [sflag:s23], s21  }
0x17: {  	s2 =	ssub.s32 $0x0, s21;
	[sflag:s23] =	ssyncset.done $0x0  }
0x18: {  	[sflag:s23] =	ssyncadd.s32 s2;
	_ =	sdelay $0x1  }
0x19: {  	s24 =	simm.s32 $0x1B8B  }
0x1a: {  	_ =	swait.ge [sflag:s24], $0x1  }
0x1b: {  	[sflag:s24] =	ssyncset.done $0x0  }
0x1c: {  	s26 =	simm.s32 $0x1B8E;
	s25 =	sld [smem:$0x3FFE];
	[sflag:s24] =	ssyncadd.s32 $0xFFFFFFFF  }
0x1d: {  	s27 =	simm.s32 $execute0_lowered;
	[smem:$0x3FD2] =	sst s26  }
0x1e: {  	s4 =	sshll.u32 s27, $0x1;
	_ =	strace $0x80000049;
	[dreg:$0x1] =	wrdreg $0xFFFFFFFF  }
0x1f: {  	s28 =	simm.s32 $_size_execute0_lowered;
	s1 =	sadd.s32 s1, s4;
	[dreg:$0x0] =	wrdreg $0x0  }
0x20: {  	s4 =	sshll.u32 s28, $0x1;
	[dreg:$0x2] =	wrdreg s1  }
0x21: {  	[dreg:$0x3] =	wrdreg s4  }
0x22: {  	[dreg:$0x4] =	wrdreg $0xC0  }
0x23: {  	_ =	task [dreg:s6], $0x5FFFF  }
0x24: {  	[dreg:$0x1] =	wrdreg $0xFFFFFFFF  }
0x25: {  	[dreg:$0x0] =	wrdreg $0x60  }
0x26: {  	[dreg:$0x2] =	wrdreg s25  }
0x27: {  	[dreg:$0x3] =	wrdreg $0x9  }
0x28: {  	_ =	task.clear_ibuf [dreg:s6], $0x4FFFF;
	_ =	strace $0x90000049  }
0x29: {  	s29 =	simm.s32 $0x9;
	_ =	strace $0x8000004B  }
0x2a: {  	_ =	swait.ge [sflag:s29], $0x1  }
0x2b: {  	[sflag:s29] =	ssyncadd.s32 $0xFFFFFFFF  }
0x2c: {  	_ =	strace $0x9000004B  }
0x2d: {  	_ =	sfence  }
0x2e: {  	s30 =	sld [smem:$0x0];
	_ =	sdelay $0x2  }
0x2f: {  	s31 =	sshll.u32 s3, $0xD;
	s3 =	sshrl.u32 s3, $0x2  }
0x30: {  	s2 =	sand.u32 $0x4000, s31;
	s1 =	sadd.s32 s3, s30  }
0x31: {  	s0 =	sor.u32 s2, s0;
	s1 =	sshll.u32 s1, $0x11  }
0x32: {  	s0 =	sor.u32 s1, s0  }
0x33: {  	s0 =	sadd.s32 $0x8F2B, s0  }
0x34: {  	[sflag:s0] =	ssyncadd.remote.s32 $0x1  }
0x35: {  	_ =	sfence.sel $0xFFFF  }
0x36: {  	[dreg:$0x0] =	wrdreg $0xFFFFFFFF;
	(pc) =	sbr.abs _section_cstart, $3  }
0x37: {  	[dreg:$0x1] =	wrdreg $0xFFFFFFFF  }
0x38: {  	_ =	task.clear_ibuf [dreg:s6], $0x2FFFF;
	_ =	strace $0x9FFFFFFF  }
0x39: {  	(tm) =	ssettm $0x7FFFFFFF  }
tec
execute0_lowered:
.L_overlay_start_1:
0x0: {  	(tag) =	ssettag $0x1  }
0x1: {  	s0 =	srdreg.scid  }
0x2: {  	s4 =	rddreg [dreg:$0x0];
	s1 =	stileid.u32  }
0x3: {  	s5 =	simm.s32 $0x1;
	s7 =	simm.s32 $0x2;
	s0 =	sshll.u32 s0, $0x4  }
0x4: {  	s11 =	simm.s32 $0x0;
	p0 =	por $0x0, $0x0;
	s2 =	sand.u32 $0x10, s0  }
.Ltmp0:
0x5: {  	s8 =	simm.s32 $0x4F5C00;
	s3 =	sor.u32 s1, s2;
	(pc) =	sbr.rel .LBB1_1-.Ltmp0, $4  }
0x6: {  	s10 =	simm.s32 $0x0;
	s0 =	rddreg [dreg:$0x1];
	s3 =	sshll.u32 s3, $0x7  }
0x7: {  	_ =	strace $0x8000004A;
	s2 =	sadd.s32 $0x1000, s4;
	s6 =	ssub.s32 $0x9EB00, s3  }
0x8: {  	s4 =	sadd.s32 $0x27AD400, s4;
	[sflag:s5] =	ssyncpa.u1 $0x0;
	s6 =	sshrl.u32 s6, $0xC  }
0x9: {  	[sflag:s7] =	ssyncpa.u1 $0x0;
	s9 =	smov.u32 s3;
	s7 =	sadd.s32 $0x2, s6  }
.LBB1_7:
0xa: {  	s13 =	sadd.s32 $0x1000, s9  }
0xb: {  	p2 =	sgt.s32 s13, $0x9EB0F  }
0xc: {  	s13 =	smov.u32 @p2 s3;
	p2 =	sne.s32 s10, s7  }
.Ltmp1:
0xd: {  	p1 =	slt.u32 s10, $0x2;
	(pc) =	sbr.rel @!p2 .LBB1_8-.Ltmp1, $4  }
0xe: {  	s12 =	simm.s32 @!p1 $0x2  }
0xf: {  	s14 =	sadd.s32 $0x1, s10;
	_ =	swait.ge @!p1 [sflag:s12], $0x4000  }
0x10: {  	s11 =	smov.u32 s9;
	p0 =	por !p0, !p0;
	[sflag:s12] =	ssyncset.done @!p1 $0x0  }
0x11: {  	s10 =	smov.u32 s14;
	s9 =	smov.u32 s13;
	[sflag:s12] =	ssyncadd.s32 @!p1 $0xFFFFC000  }
.LBB1_1:
0x12: {  	p1 =	sgt.u32 s10, s6  }
0x13: {  	p2 =	sgt.s32 @!p1 s9, $0x9EA90  }
0x14: {  	s12 =	smov.u32 s9;
	s13 =	sshra.s32 @!p1 s9, $0x1F;
	p2 =	por !p2, p1  }
0x15: {  	s13 =	sand.u32 @!p1 s13, s9;
	s12 =	simm.s32 @p2 $0x9EA90  }
0x16: {  	s12 =	ssub.s32 @!p1 s12, s13  }
0x17: {  	s14 =	sxor.u32 @!p1 $0xFFFFFFFF, s10;
	s12 =	sadd.s32 @!p1 $0xFFF61570, s12  }
0x18: {  	s15 =	simm.s32 @!p1 $0x20;
	s16 =	simm.s32 @!p1 $0x80;
	s13 =	sshll.u32 @!p1 s12, $0x9  }
0x19: {  	p2 =	sgt.s32 @!p1 s12, $0x7F;
	s12 =	ssub.s32 @!p1 $0x10000, s13;
	s13 =	sshll.u32 @!p1 s14, $0xE  }
0x1a: {  	p2 =	por !p2, p1;
	s14 =	sshll.u32 @!p1 s9, $0x6;
	s12 =	sshrl.u32 @!p1 s12, $0x2  }
0x1b: {  	s13 =	sand.u32 @!p1 $0x4000, s13;
	s14 =	sadd.s32 @!p1 s2, s14;
	s12 =	simm.s32 @!p2 $0x0  }
0x1c: {  	[tilespmem:s13], [sflag:$0x1] =	stream.strided.gather @!p1 [hbm4b:s14+s15], s12, s16, s15, $0x38;
	[tilespmem:$0x10100] =	vst v63  }
0x1d: {  	p1 =	seq.s32 s10, $0x0  }
0x1e: {  	p2 =	sge.u32 @!p1 s10, s7  }
0x1f: {  	p1 =	por p1, p2  }
.Ltmp2:
0x20: {  	_ = 	snop;
	(pc) =	sbr.rel @p1 .LBB1_7-.Ltmp2, $1  }
0x21: {  	_ =	sdelay $0x3  }
0x22: {  	p1 =	sgt.s32 s11, $0x9EA90;
	s12 =	smov.u32 s11;
	s13 =	sshra.s32 s11, $0x1F  }
0x23: {  	s12 =	simm.s32 @!p1 $0x9EA90;
	s13 =	sand.u32 s13, s11  }
0x24: {  	s12 =	ssub.s32 s12, s13  }
0x25: {  	s12 =	sadd.s32 $0xFFF61570, s12  }
0x26: {  	s14 =	simm.s32 $0x1;
	s16 =	sand.u32 $0x1, s10;
	s29 =	sshll.u32 s12, $0x9  }
0x27: {  	s14 =	simm.s32 @!p0 $0x0;
	s31 =	smul.u32 $0x10200, s16;
	s13 =	ssub.s32 $0x10000, s29  }
0x28: {  	s15 =	smul.u32 $0x10200, s14;
	p1 =	sgt.s32 s12, $0x7F;
	s12 =	sshrl.u32 s13, $0x2  }
0x29: {  	s14 =	sshll.u32 s14, $0xE;
	s12 =	simm.s32 @p1 $0x0  }
0x2a: {  	s30 =	sshrl.u32 s15, $0x2;
	s15 =	sshrl.u32 s31, $0x2;
	_ =	swait.ge [sflag:s5], s12  }
0x2b: {  	s13 =	sadd.s32 $0x8810, s30;
	s12 =	ssub.s32 $0x0, s12;
	[sflag:s5] =	ssyncset.done $0x0  }
0x2c: {  	[sflag:s5] =	ssyncadd.s32 s12;
	s12 =	sor.u32 $0x8000, s15;
	s15 =	simm.s32 $0x0  }
.LBB1_3:
0x2d: {  	v0 =	vmov s14;
	_ =	sdelay $0x3  }
0x2e: {  	s16 =	simm.s32 $0x0  }
0x2f: {  	v1 =	vld.idx.msk [tilespmem:v0+s16+$0x10 ss:$0x1], $0xffff  }
0x30: {  	v2 =	vld.idx.msk [tilespmem:v0+s16+$0x0 ss:$0x1], $0xffff;
	_ =	sdelay $0x1  }
0x31: {  	s17 =	simm.s32 $0x80;
	s16 =	smov.u32 s13  }
.LBB1_4:
0x32: {  	s18 =	sshra.s32 s17, $0x2;
	p1 =	sne.s32 s17, $0x180;
	s17 =	sadd.s32 $0x80, s17  }
.Ltmp3:
0x33: {  	[tilespmem:s16+$0x0 ss:$0x81] =	vst.msk $0xffff, v1;
	v1 =	vld.idx.msk [tilespmem:v0+s18+$0x10 ss:$0x1], $0xffff;
	(pc) =	sbr.rel @p1 .LBB1_4-.Ltmp3, $2  }
0x34: {  	[tilespmem:s16+$0xFFFFF7F0 ss:$0x81] =	vst.msk $0xffff, v2;
	v2 =	vld.idx.msk [tilespmem:v0+s18+$0x0 ss:$0x1], $0xffff;
	_ =	sdelay $0x2  }
0x35: {  	s16 =	sadd.s32 $0x1020, s16  }
0x36: {  	s15 =	sadd.s32 $0x1, s15  }
0x37: {  	p1 =	sne.s32 s15, $0x80  }
.Ltmp4:
0x38: {  	_ = 	snop;
	(pc) =	sbr.rel @p1 .LBB1_3-.Ltmp4, $3  }
0x39: {  	_ =	sdelay $0x1  }
0x3a: {  	[tilespmem:s16+$0x0 ss:$0x81] =	vst.msk $0xffff, v1  }
0x3b: {  	s13 =	sadd.s32 $0x1, s13;
	s14 =	sadd.s32 $0x80, s14;
	[tilespmem:s16+$0xFFFFF7F0 ss:$0x81] =	vst.msk $0xffff, v2  }
0x3c: {  	s13 =	sshll.u32 s11, $0x3  }
0x3d: {  	s31 =	sand.u32 $0x7F, s11;
	s13 =	sand.u32 $0xFFFFFC00, s13  }
0x3e: {  	s11 =	sor.u32 s31, s13  }
0x3f: {  	s14 =	smulhi.u32 $0x673A03BB, s11;
	_ =	sdelay $0x1  }
0x40: {  	s13 =	smulhi.u32 $0x673A03BB, s13;
	s14 =	sshrl.u32 s14, $0x12  }
0x41: {  	s14 =	smul.u32 $0x9EB80, s14  }
0x42: {  	s13 =	sshrl.u32 s13, $0x12  }
.Ltmp5:
0x43: {  	s13 =	sand.u32 $0x1F, s13;
	s11 =	ssub.s32 s11, s14;
	(pc) =	sbr.rel .LBB1_7-.Ltmp5, $4  }
0x44: {  	s13 =	smul.u32 $0x13D70, s13;
	s14 =	sshrl.u32 s11, $0x3;
	s11 =	sand.u32 $0x7, s11  }
0x45: {  	s14 =	sadd.s32 s4, s14;
	s11 =	sshll.u32 s11, $0x12  }
0x46: {  	s13 =	sadd.s32 s13, s14;
	s11 =	sor.u32 $0x400, s11  }
0x47: {  	[hbm4b:s13+s11] =	stream.strided.scatter [tilespmem:s12], [sflag:$0x2], $0x4000, s8, s11, $0x20;
	[tilespmem:$0x10100] =	vst v63  }
.LBB1_8:
0x48: {  	_ =	sfence.sel $0x180000  }
0x49: {  	s2 =	simm.s32 $0x1;
	[bflag:$0x0] =	sbarrier.arrive $0xFFFF  }
0x4a: {  	s31 =	simm.s32 $0x2;
	[sflag:s2] =	ssyncpa.u1 $0x1  }
0x4b: {  	[sflag:s31] =	ssyncpa.u1 $0x1  }
0x4c: {  	p0 =	sne.s32 s1, $0x0;
	_ =	strace $0x9000004A  }
0x4d: {  	s0 =	sadd.s32 @!p0 $0x100000, s0;
	[bflag:$0x2] =	sbarrier.arrive $0xFFFF  }
0x4e: {  	[sflag:s0] =	ssyncadd.tile.s32 @!p0 $0x1;
	_ =	shalt  }
.Lfunc_end1:
_tile_overlayer_lowered:
.L_overlay_start_2:
0x4f: {  	(tag) =	ssettag $0x2  }
0x50: {  	s0 =	rddreg [dreg:$0x0];
	s2 =	stileid.u32  }
0x51: {  	s1 =	rddreg [dreg:$0x1];
	p0 =	sne.s32 s2, $0x0  }
0x52: {  	s3 =	rddreg [dreg:$0x2];
	[bflag:$0x3] =	sbarrier.arrive $0xFFFF;
	s2 =	simm.s32 @!p0 $0x1C01  }
0x53: {  	[timem:s3], [sflag:s2] =	dma.local @!p0 [hbm:s0], s1  }
0x54: {  	s0 =	simm.s32 @!p0 $0x1  }
0x55: {  	_ =	swait.ge @!p0 [sflag:s0], s1  }
0x56: {  	s1 =	ssub.s32 @!p0 $0x0, s1;
	[sflag:s0] =	ssyncset.done @!p0 $0x0  }
0x57: {  	[sflag:s0] =	ssyncadd.s32 @!p0 s1  }
0x58: {  	[bflag:$0x3] =	sbarrier.arrive $0xFFFF  }
0x59: {  	_ =	shalt  }

</sc_bundles>
